<compile_context>
chip_gen: v7x
topology: tpu7x:2x2x1
jax: 0.10.2.dev20260603
libtpu: 0.0.44.dev20260713+nightly
codegen_flags: <defaults>
</compile_context>

<pallas_src>
import functools

import jax
import jax.numpy as jnp
from jax import lax
from jax.experimental import pallas as pl
from jax.experimental.pallas import tpu as pltpu
from jax.experimental.pallas import tpu_sc as plsc

N_CORES = 2
N_SUBCORES = 16
N_WORKERS = N_CORES * N_SUBCORES
CHUNK = 128
N_BUF = 13


def kernel(x, table):
    batch, fields = x.shape
    n_rows, d_embed = table.shape
    b_total = batch * fields
    n_per_w = b_total // N_WORKERS
    n_chunks = n_per_w // CHUNK

    idx = x.T.reshape(b_total) * 2
    table2 = jnp.pad(table, ((0, 0), (0, d_embed))).reshape(2 * n_rows, d_embed)

    mesh = plsc.VectorSubcoreMesh(core_axis_name="c", subcore_axis_name="s")

    scratch = (
        [pltpu.VMEM((n_per_w,), jnp.int32)]
        + [pltpu.VMEM((CHUNK, d_embed), jnp.float32) for _ in range(N_BUF)]
        + [pltpu.SemaphoreType.DMA for _ in range(2 * N_BUF)]
    )

    @functools.partial(
        pl.kernel,
        mesh=mesh,
        out_type=jax.ShapeDtypeStruct((b_total, d_embed), jnp.float32),
        compiler_params=pltpu.CompilerParams(use_tc_tiling_on_sc=False),
        scratch_types=scratch,
    )
    def emb(table_hbm, idx_hbm, out_hbm, idx_v, *rest):
        bufs = rest[:N_BUF]
        gsems = rest[N_BUF:2 * N_BUF]
        osems = rest[2 * N_BUF:]

        wid = lax.axis_index("s") * N_CORES + lax.axis_index("c")
        base = wid * n_per_w
        pltpu.sync_copy(idx_hbm.at[pl.ds(base, n_per_w)], idx_v)

        def gather(c, s):
            return pltpu.make_async_copy(
                table_hbm.at[idx_v.at[pl.ds(c * CHUNK, CHUNK)]], bufs[s], gsems[s])

        def copyout(c, s):
            return pltpu.make_async_copy(
                bufs[s], out_hbm.at[pl.ds(base + c * CHUNK, CHUNK)], osems[s])

        for s in range(N_BUF):
            gather(s, s).start()
        for s in range(N_BUF):
            gather(s, s).wait()
            copyout(s, s).start()
        for s in range(N_BUF):
            copyout(s, s).wait()
            gather(N_BUF + s, s).start()
        for s in range(N_BUF):
            gather(N_BUF + s, s).wait()
            copyout(N_BUF + s, s).start()
        for s in range(N_BUF):
            copyout(N_BUF + s, s).wait()

    out = emb(table2, idx)
    return out.reshape(fields, batch, d_embed).transpose(1, 0, 2)

# --- scband reference (transcript-rebuilt; emitter-appended) ---
"""Pipeline reference for scband-caterorical-embedding-14637248545277 (READ-ONLY COPY).

The authoritative reference and input builder live on the scoring server;
editing this copy changes nothing except your own understanding.
"""

import jax, jax.numpy as jnp
import numpy as np

N_GROUPS = 100000
D_EMBED = 64
BATCH = 4096
N_FIELDS = 26


def setup_inputs(seed: int = 0) -> dict:
    key = jax.random.key(seed)
    k_idx, k_tab = jax.random.split(key)
    x = jax.random.randint(k_idx, (BATCH, N_FIELDS), 0, N_GROUPS, dtype=jnp.int64 if jax.config.jax_enable_x64 else jnp.int32)
    table = jax.random.normal(k_tab, (N_GROUPS, D_EMBED), dtype=jnp.float32)
    return {"x": x, "table": table}


def reference(x, table):
    # nn.Embedding forward: gather rows of the embedding table by index
    return jnp.take(table, x, axis=0)

if __name__ == "__main__":
    import jax
    _d = setup_inputs()
    print(jax.jit(kernel)(*tuple(_d.values())))

</pallas_src>

<mosaic_0001>
#map = affine_map<(d0, d1) -> (0, 0)>
#map1 = affine_map<(d0, d1) -> (0)>
module attributes {stable_mosaic.version = 14 : i64} {
  func.func @emb(%arg0: i32, %arg1: i32, %arg2: memref<200000x64xf32, #tpu.memory_space<hbm>>, %arg3: memref<106496xi32, #tpu.memory_space<hbm>>, %arg4: memref<106496x64xf32, #tpu.memory_space<hbm>>, %arg5: memref<3328xi32, #tpu.memory_space<vmem>>, %arg6: memref<128x64xf32, #tpu.memory_space<vmem>>, %arg7: memref<128x64xf32, #tpu.memory_space<vmem>>, %arg8: memref<128x64xf32, #tpu.memory_space<vmem>>, %arg9: memref<128x64xf32, #tpu.memory_space<vmem>>, %arg10: memref<128x64xf32, #tpu.memory_space<vmem>>, %arg11: memref<128x64xf32, #tpu.memory_space<vmem>>, %arg12: memref<128x64xf32, #tpu.memory_space<vmem>>, %arg13: memref<128x64xf32, #tpu.memory_space<vmem>>, %arg14: memref<128x64xf32, #tpu.memory_space<vmem>>, %arg15: memref<128x64xf32, #tpu.memory_space<vmem>>, %arg16: memref<128x64xf32, #tpu.memory_space<vmem>>, %arg17: memref<128x64xf32, #tpu.memory_space<vmem>>, %arg18: memref<128x64xf32, #tpu.memory_space<vmem>>, %arg19: memref<!tpu.dma_semaphore, #tpu.memory_space<semaphore_mem>>, %arg20: memref<!tpu.dma_semaphore, #tpu.memory_space<semaphore_mem>>, %arg21: memref<!tpu.dma_semaphore, #tpu.memory_space<semaphore_mem>>, %arg22: memref<!tpu.dma_semaphore, #tpu.memory_space<semaphore_mem>>, %arg23: memref<!tpu.dma_semaphore, #tpu.memory_space<semaphore_mem>>, %arg24: memref<!tpu.dma_semaphore, #tpu.memory_space<semaphore_mem>>, %arg25: memref<!tpu.dma_semaphore, #tpu.memory_space<semaphore_mem>>, %arg26: memref<!tpu.dma_semaphore, #tpu.memory_space<semaphore_mem>>, %arg27: memref<!tpu.dma_semaphore, #tpu.memory_space<semaphore_mem>>, %arg28: memref<!tpu.dma_semaphore, #tpu.memory_space<semaphore_mem>>, %arg29: memref<!tpu.dma_semaphore, #tpu.memory_space<semaphore_mem>>, %arg30: memref<!tpu.dma_semaphore, #tpu.memory_space<semaphore_mem>>, %arg31: memref<!tpu.dma_semaphore, #tpu.memory_space<semaphore_mem>>, %arg32: memref<!tpu.dma_semaphore, #tpu.memory_space<semaphore_mem>>, %arg33: memref<!tpu.dma_semaphore, #tpu.memory_space<semaphore_mem>>, %arg34: memref<!tpu.dma_semaphore, #tpu.memory_space<semaphore_mem>>, %arg35: memref<!tpu.dma_semaphore, #tpu.memory_space<semaphore_mem>>, %arg36: memref<!tpu.dma_semaphore, #tpu.memory_space<semaphore_mem>>, %arg37: memref<!tpu.dma_semaphore, #tpu.memory_space<semaphore_mem>>, %arg38: memref<!tpu.dma_semaphore, #tpu.memory_space<semaphore_mem>>, %arg39: memref<!tpu.dma_semaphore, #tpu.memory_space<semaphore_mem>>, %arg40: memref<!tpu.dma_semaphore, #tpu.memory_space<semaphore_mem>>, %arg41: memref<!tpu.dma_semaphore, #tpu.memory_space<semaphore_mem>>, %arg42: memref<!tpu.dma_semaphore, #tpu.memory_space<semaphore_mem>>, %arg43: memref<!tpu.dma_semaphore, #tpu.memory_space<semaphore_mem>>, %arg44: memref<!tpu.dma_semaphore, #tpu.memory_space<semaphore_mem>>) attributes {dimension_semantics = [#tpu.dimension_semantics<core_parallel>, #tpu.dimension_semantics<subcore_parallel>], iteration_bounds = array<i64: 2, 16>, scalar_prefetch = 0 : i64, scratch_operands = 40 : i64, tpu.core_type = #tpu.core_type<sc_vector_subcore>, window_params = [{transform_indices = #map}, {transform_indices = #map1}, {transform_indices = #map}]} {
    %mul3A = arith.constant 2 : i32
    %mul3A_0 = arith.muli %arg1, %mul3A : i32
    %add3A = arith.addi %mul3A_0, %arg0 : i32
    %mul3A_1 = arith.constant 3328 : i32
    %mul3A_2 = arith.muli %add3A, %mul3A_1 : i32
    "tpu.region"() ({
      %run_scoped3A = tpu.sem_alloc : memref<!tpu.dma_semaphore, #tpu.memory_space<semaphore_mem>>
      %dma_start3A_573 = tpu.memref_slice %arg3[%mul3A_2] : memref<106496xi32, #tpu.memory_space<hbm>> -> memref<3328xi32, #tpu.memory_space<hbm>>
      %dma_start3A_574 = tpu.memref_slice %arg3[%mul3A_2] : memref<106496xi32, #tpu.memory_space<hbm>> -> memref<3328xi32, #tpu.memory_space<hbm>>
      tpu.enqueue_dma source(%dma_start3A_574 : memref<3328xi32, #tpu.memory_space<hbm>>) target(%arg5 : memref<3328xi32, #tpu.memory_space<vmem>>) target_semaphore(%run_scoped3A : memref<!tpu.dma_semaphore, #tpu.memory_space<semaphore_mem>>)
      %dma_wait3A_575 = tpu.memref_slice %arg3[%mul3A_2] : memref<106496xi32, #tpu.memory_space<hbm>> -> memref<3328xi32, #tpu.memory_space<hbm>>
      %dma_wait3A_576 = tpu.memref_slice %arg3[%mul3A_2] : memref<106496xi32, #tpu.memory_space<hbm>> -> memref<3328xi32, #tpu.memory_space<hbm>>
      tpu.wait_dma2 semaphore(%run_scoped3A : memref<!tpu.dma_semaphore, #tpu.memory_space<semaphore_mem>>) src(%dma_wait3A_576 : memref<3328xi32, #tpu.memory_space<hbm>>) dst(%arg5 : memref<3328xi32, #tpu.memory_space<vmem>>)
      tpu.yield
    }) : () -> ()
    %dma_start3A = arith.constant 0 : i32
    %dma_start3A_3 = tpu.memref_slice %arg5[%dma_start3A] : memref<3328xi32, #tpu.memory_space<vmem>> -> memref<128xi32, #tpu.memory_space<vmem>>
    %dma_start3A_4 = arith.constant 0 : i32
    %dma_start3A_5 = arith.constant 0 : i32
    %dma_start3A_6 = tpu.memref_slice %arg2[%dma_start3A_4, %dma_start3A_5] : memref<200000x64xf32, #tpu.memory_space<hbm>> -> memref<200000x64xf32, #tpu.memory_space<hbm>>
    tpu.enqueue_indirect_dma source(%dma_start3A_6 : memref<200000x64xf32, #tpu.memory_space<hbm>>) target(%arg6 : memref<128x64xf32, #tpu.memory_space<vmem>>) offsets(%dma_start3A_3 : memref<128xi32, #tpu.memory_space<vmem>>) semaphore(%arg19 : memref<!tpu.dma_semaphore, #tpu.memory_space<semaphore_mem>>)
    %dma_start3A_7 = arith.constant 128 : i32
    %dma_start3A_8 = tpu.memref_slice %arg5[%dma_start3A_7] : memref<3328xi32, #tpu.memory_space<vmem>> -> memref<128xi32, #tpu.memory_space<vmem>>
    %dma_start3A_9 = arith.constant 0 : i32
    %dma_start3A_10 = arith.constant 0 : i32
    %dma_start3A_11 = tpu.memref_slice %arg2[%dma_start3A_9, %dma_start3A_10] : memref<200000x64xf32, #tpu.memory_space<hbm>> -> memref<200000x64xf32, #tpu.memory_space<hbm>>
    tpu.enqueue_indirect_dma source(%dma_start3A_11 : memref<200000x64xf32, #tpu.memory_space<hbm>>) target(%arg7 : memref<128x64xf32, #tpu.memory_space<vmem>>) offsets(%dma_start3A_8 : memref<128xi32, #tpu.memory_space<vmem>>) semaphore(%arg20 : memref<!tpu.dma_semaphore, #tpu.memory_space<semaphore_mem>>)
    %dma_start3A_12 = arith.constant 256 : i32
    %dma_start3A_13 = tpu.memref_slice %arg5[%dma_start3A_12] : memref<3328xi32, #tpu.memory_space<vmem>> -> memref<128xi32, #tpu.memory_space<vmem>>
    %dma_start3A_14 = arith.constant 0 : i32
    %dma_start3A_15 = arith.constant 0 : i32
    %dma_start3A_16 = tpu.memref_slice %arg2[%dma_start3A_14, %dma_start3A_15] : memref<200000x64xf32, #tpu.memory_space<hbm>> -> memref<200000x64xf32, #tpu.memory_space<hbm>>
    tpu.enqueue_indirect_dma source(%dma_start3A_16 : memref<200000x64xf32, #tpu.memory_space<hbm>>) target(%arg8 : memref<128x64xf32, #tpu.memory_space<vmem>>) offsets(%dma_start3A_13 : memref<128xi32, #tpu.memory_space<vmem>>) semaphore(%arg21 : memref<!tpu.dma_semaphore, #tpu.memory_space<semaphore_mem>>)
    %dma_start3A_17 = arith.constant 384 : i32
    %dma_start3A_18 = tpu.memref_slice %arg5[%dma_start3A_17] : memref<3328xi32, #tpu.memory_space<vmem>> -> memref<128xi32, #tpu.memory_space<vmem>>
    %dma_start3A_19 = arith.constant 0 : i32
    %dma_start3A_20 = arith.constant 0 : i32
    %dma_start3A_21 = tpu.memref_slice %arg2[%dma_start3A_19, %dma_start3A_20] : memref<200000x64xf32, #tpu.memory_space<hbm>> -> memref<200000x64xf32, #tpu.memory_space<hbm>>
    tpu.enqueue_indirect_dma source(%dma_start3A_21 : memref<200000x64xf32, #tpu.memory_space<hbm>>) target(%arg9 : memref<128x64xf32, #tpu.memory_space<vmem>>) offsets(%dma_start3A_18 : memref<128xi32, #tpu.memory_space<vmem>>) semaphore(%arg22 : memref<!tpu.dma_semaphore, #tpu.memory_space<semaphore_mem>>)
    %dma_start3A_22 = arith.constant 512 : i32
    %dma_start3A_23 = tpu.memref_slice %arg5[%dma_start3A_22] : memref<3328xi32, #tpu.memory_space<vmem>> -> memref<128xi32, #tpu.memory_space<vmem>>
    %dma_start3A_24 = arith.constant 0 : i32
    %dma_start3A_25 = arith.constant 0 : i32
    %dma_start3A_26 = tpu.memref_slice %arg2[%dma_start3A_24, %dma_start3A_25] : memref<200000x64xf32, #tpu.memory_space<hbm>> -> memref<200000x64xf32, #tpu.memory_space<hbm>>
    tpu.enqueue_indirect_dma source(%dma_start3A_26 : memref<200000x64xf32, #tpu.memory_space<hbm>>) target(%arg10 : memref<128x64xf32, #tpu.memory_space<vmem>>) offsets(%dma_start3A_23 : memref<128xi32, #tpu.memory_space<vmem>>) semaphore(%arg23 : memref<!tpu.dma_semaphore, #tpu.memory_space<semaphore_mem>>)
    %dma_start3A_27 = arith.constant 640 : i32
    %dma_start3A_28 = tpu.memref_slice %arg5[%dma_start3A_27] : memref<3328xi32, #tpu.memory_space<vmem>> -> memref<128xi32, #tpu.memory_space<vmem>>
    %dma_start3A_29 = arith.constant 0 : i32
    %dma_start3A_30 = arith.constant 0 : i32
    %dma_start3A_31 = tpu.memref_slice %arg2[%dma_start3A_29, %dma_start3A_30] : memref<200000x64xf32, #tpu.memory_space<hbm>> -> memref<200000x64xf32, #tpu.memory_space<hbm>>
    tpu.enqueue_indirect_dma source(%dma_start3A_31 : memref<200000x64xf32, #tpu.memory_space<hbm>>) target(%arg11 : memref<128x64xf32, #tpu.memory_space<vmem>>) offsets(%dma_start3A_28 : memref<128xi32, #tpu.memory_space<vmem>>) semaphore(%arg24 : memref<!tpu.dma_semaphore, #tpu.memory_space<semaphore_mem>>)
    %dma_start3A_32 = arith.constant 768 : i32
    %dma_start3A_33 = tpu.memref_slice %arg5[%dma_start3A_32] : memref<3328xi32, #tpu.memory_space<vmem>> -> memref<128xi32, #tpu.memory_space<vmem>>
    %dma_start3A_34 = arith.constant 0 : i32
    %dma_start3A_35 = arith.constant 0 : i32
    %dma_start3A_36 = tpu.memref_slice %arg2[%dma_start3A_34, %dma_start3A_35] : memref<200000x64xf32, #tpu.memory_space<hbm>> -> memref<200000x64xf32, #tpu.memory_space<hbm>>
    tpu.enqueue_indirect_dma source(%dma_start3A_36 : memref<200000x64xf32, #tpu.memory_space<hbm>>) target(%arg12 : memref<128x64xf32, #tpu.memory_space<vmem>>) offsets(%dma_start3A_33 : memref<128xi32, #tpu.memory_space<vmem>>) semaphore(%arg25 : memref<!tpu.dma_semaphore, #tpu.memory_space<semaphore_mem>>)
    %dma_start3A_37 = arith.constant 896 : i32
    %dma_start3A_38 = tpu.memref_slice %arg5[%dma_start3A_37] : memref<3328xi32, #tpu.memory_space<vmem>> -> memref<128xi32, #tpu.memory_space<vmem>>
    %dma_start3A_39 = arith.constant 0 : i32
    %dma_start3A_40 = arith.constant 0 : i32
    %dma_start3A_41 = tpu.memref_slice %arg2[%dma_start3A_39, %dma_start3A_40] : memref<200000x64xf32, #tpu.memory_space<hbm>> -> memref<200000x64xf32, #tpu.memory_space<hbm>>
    tpu.enqueue_indirect_dma source(%dma_start3A_41 : memref<200000x64xf32, #tpu.memory_space<hbm>>) target(%arg13 : memref<128x64xf32, #tpu.memory_space<vmem>>) offsets(%dma_start3A_38 : memref<128xi32, #tpu.memory_space<vmem>>) semaphore(%arg26 : memref<!tpu.dma_semaphore, #tpu.memory_space<semaphore_mem>>)
    %dma_start3A_42 = arith.constant 1024 : i32
    %dma_start3A_43 = tpu.memref_slice %arg5[%dma_start3A_42] : memref<3328xi32, #tpu.memory_space<vmem>> -> memref<128xi32, #tpu.memory_space<vmem>>
    %dma_start3A_44 = arith.constant 0 : i32
    %dma_start3A_45 = arith.constant 0 : i32
    %dma_start3A_46 = tpu.memref_slice %arg2[%dma_start3A_44, %dma_start3A_45] : memref<200000x64xf32, #tpu.memory_space<hbm>> -> memref<200000x64xf32, #tpu.memory_space<hbm>>
    tpu.enqueue_indirect_dma source(%dma_start3A_46 : memref<200000x64xf32, #tpu.memory_space<hbm>>) target(%arg14 : memref<128x64xf32, #tpu.memory_space<vmem>>) offsets(%dma_start3A_43 : memref<128xi32, #tpu.memory_space<vmem>>) semaphore(%arg27 : memref<!tpu.dma_semaphore, #tpu.memory_space<semaphore_mem>>)
    %dma_start3A_47 = arith.constant 1152 : i32
    %dma_start3A_48 = tpu.memref_slice %arg5[%dma_start3A_47] : memref<3328xi32, #tpu.memory_space<vmem>> -> memref<128xi32, #tpu.memory_space<vmem>>
    %dma_start3A_49 = arith.constant 0 : i32
    %dma_start3A_50 = arith.constant 0 : i32
    %dma_start3A_51 = tpu.memref_slice %arg2[%dma_start3A_49, %dma_start3A_50] : memref<200000x64xf32, #tpu.memory_space<hbm>> -> memref<200000x64xf32, #tpu.memory_space<hbm>>
    tpu.enqueue_indirect_dma source(%dma_start3A_51 : memref<200000x64xf32, #tpu.memory_space<hbm>>) target(%arg15 : memref<128x64xf32, #tpu.memory_space<vmem>>) offsets(%dma_start3A_48 : memref<128xi32, #tpu.memory_space<vmem>>) semaphore(%arg28 : memref<!tpu.dma_semaphore, #tpu.memory_space<semaphore_mem>>)
    %dma_start3A_52 = arith.constant 1280 : i32
    %dma_start3A_53 = tpu.memref_slice %arg5[%dma_start3A_52] : memref<3328xi32, #tpu.memory_space<vmem>> -> memref<128xi32, #tpu.memory_space<vmem>>
    %dma_start3A_54 = arith.constant 0 : i32
    %dma_start3A_55 = arith.constant 0 : i32
    %dma_start3A_56 = tpu.memref_slice %arg2[%dma_start3A_54, %dma_start3A_55] : memref<200000x64xf32, #tpu.memory_space<hbm>> -> memref<200000x64xf32, #tpu.memory_space<hbm>>
    tpu.enqueue_indirect_dma source(%dma_start3A_56 : memref<200000x64xf32, #tpu.memory_space<hbm>>) target(%arg16 : memref<128x64xf32, #tpu.memory_space<vmem>>) offsets(%dma_start3A_53 : memref<128xi32, #tpu.memory_space<vmem>>) semaphore(%arg29 : memref<!tpu.dma_semaphore, #tpu.memory_space<semaphore_mem>>)
    %dma_start3A_57 = arith.constant 1408 : i32
    %dma_start3A_58 = tpu.memref_slice %arg5[%dma_start3A_57] : memref<3328xi32, #tpu.memory_space<vmem>> -> memref<128xi32, #tpu.memory_space<vmem>>
    %dma_start3A_59 = arith.constant 0 : i32
    %dma_start3A_60 = arith.constant 0 : i32
    %dma_start3A_61 = tpu.memref_slice %arg2[%dma_start3A_59, %dma_start3A_60] : memref<200000x64xf32, #tpu.memory_space<hbm>> -> memref<200000x64xf32, #tpu.memory_space<hbm>>
    tpu.enqueue_indirect_dma source(%dma_start3A_61 : memref<200000x64xf32, #tpu.memory_space<hbm>>) target(%arg17 : memref<128x64xf32, #tpu.memory_space<vmem>>) offsets(%dma_start3A_58 : memref<128xi32, #tpu.memory_space<vmem>>) semaphore(%arg30 : memref<!tpu.dma_semaphore, #tpu.memory_space<semaphore_mem>>)
    %dma_start3A_62 = arith.constant 1536 : i32
    %dma_start3A_63 = tpu.memref_slice %arg5[%dma_start3A_62] : memref<3328xi32, #tpu.memory_space<vmem>> -> memref<128xi32, #tpu.memory_space<vmem>>
    %dma_start3A_64 = arith.constant 0 : i32
    %dma_start3A_65 = arith.constant 0 : i32
    %dma_start3A_66 = tpu.memref_slice %arg2[%dma_start3A_64, %dma_start3A_65] : memref<200000x64xf32, #tpu.memory_space<hbm>> -> memref<200000x64xf32, #tpu.memory_space<hbm>>
    tpu.enqueue_indirect_dma source(%dma_start3A_66 : memref<200000x64xf32, #tpu.memory_space<hbm>>) target(%arg18 : memref<128x64xf32, #tpu.memory_space<vmem>>) offsets(%dma_start3A_63 : memref<128xi32, #tpu.memory_space<vmem>>) semaphore(%arg31 : memref<!tpu.dma_semaphore, #tpu.memory_space<semaphore_mem>>)
    %dma_wait3A = arith.constant 0 : i32
    %dma_wait3A_67 = tpu.memref_slice %arg5[%dma_wait3A] : memref<3328xi32, #tpu.memory_space<vmem>> -> memref<128xi32, #tpu.memory_space<vmem>>
    %dma_wait3A_68 = arith.constant 0 : i32
    %dma_wait3A_69 = arith.constant 0 : i32
    %dma_wait3A_70 = tpu.memref_slice %arg2[%dma_wait3A_68, %dma_wait3A_69] : memref<200000x64xf32, #tpu.memory_space<hbm>> -> memref<200000x64xf32, #tpu.memory_space<hbm>>
    tpu.wait_indirect_dma semaphore(%arg19 : memref<!tpu.dma_semaphore, #tpu.memory_space<semaphore_mem>>) src(%dma_wait3A_70 : memref<200000x64xf32, #tpu.memory_space<hbm>>) dst(%arg6 : memref<128x64xf32, #tpu.memory_space<vmem>>)
    %add3A_71 = arith.constant 0 : i32
    %add3A_72 = arith.addi %mul3A_2, %add3A_71 : i32
    %dma_start3A_73 = arith.constant 0 : i32
    %dma_start3A_74 = tpu.memref_slice %arg4[%add3A_72, %dma_start3A_73] : memref<106496x64xf32, #tpu.memory_space<hbm>> -> memref<128x64xf32, #tpu.memory_space<hbm>>
    %dma_start3A_75 = arith.constant 0 : i32
    %dma_start3A_76 = tpu.memref_slice %arg4[%add3A_72, %dma_start3A_75] : memref<106496x64xf32, #tpu.memory_space<hbm>> -> memref<128x64xf32, #tpu.memory_space<hbm>>
    tpu.enqueue_dma source(%arg6 : memref<128x64xf32, #tpu.memory_space<vmem>>) target(%dma_start3A_76 : memref<128x64xf32, #tpu.memory_space<hbm>>) target_semaphore(%arg32 : memref<!tpu.dma_semaphore, #tpu.memory_space<semaphore_mem>>)
    %dma_wait3A_77 = arith.constant 128 : i32
    %dma_wait3A_78 = tpu.memref_slice %arg5[%dma_wait3A_77] : memref<3328xi32, #tpu.memory_space<vmem>> -> memref<128xi32, #tpu.memory_space<vmem>>
    %dma_wait3A_79 = arith.constant 0 : i32
    %dma_wait3A_80 = arith.constant 0 : i32
    %dma_wait3A_81 = tpu.memref_slice %arg2[%dma_wait3A_79, %dma_wait3A_80] : memref<200000x64xf32, #tpu.memory_space<hbm>> -> memref<200000x64xf32, #tpu.memory_space<hbm>>
    tpu.wait_indirect_dma semaphore(%arg20 : memref<!tpu.dma_semaphore, #tpu.memory_space<semaphore_mem>>) src(%dma_wait3A_81 : memref<200000x64xf32, #tpu.memory_space<hbm>>) dst(%arg7 : memref<128x64xf32, #tpu.memory_space<vmem>>)
    %add3A_82 = arith.constant 128 : i32
    %add3A_83 = arith.addi %mul3A_2, %add3A_82 : i32
    %dma_start3A_84 = arith.constant 0 : i32
    %dma_start3A_85 = tpu.memref_slice %arg4[%add3A_83, %dma_start3A_84] : memref<106496x64xf32, #tpu.memory_space<hbm>> -> memref<128x64xf32, #tpu.memory_space<hbm>>
    %dma_start3A_86 = arith.constant 0 : i32
    %dma_start3A_87 = tpu.memref_slice %arg4[%add3A_83, %dma_start3A_86] : memref<106496x64xf32, #tpu.memory_space<hbm>> -> memref<128x64xf32, #tpu.memory_space<hbm>>
    tpu.enqueue_dma source(%arg7 : memref<128x64xf32, #tpu.memory_space<vmem>>) target(%dma_start3A_87 : memref<128x64xf32, #tpu.memory_space<hbm>>) target_semaphore(%arg33 : memref<!tpu.dma_semaphore, #tpu.memory_space<semaphore_mem>>)
    %dma_wait3A_88 = arith.constant 256 : i32
    %dma_wait3A_89 = tpu.memref_slice %arg5[%dma_wait3A_88] : memref<3328xi32, #tpu.memory_space<vmem>> -> memref<128xi32, #tpu.memory_space<vmem>>
    %dma_wait3A_90 = arith.constant 0 : i32
    %dma_wait3A_91 = arith.constant 0 : i32
    %dma_wait3A_92 = tpu.memref_slice %arg2[%dma_wait3A_90, %dma_wait3A_91] : memref<200000x64xf32, #tpu.memory_space<hbm>> -> memref<200000x64xf32, #tpu.memory_space<hbm>>
    tpu.wait_indirect_dma semaphore(%arg21 : memref<!tpu.dma_semaphore, #tpu.memory_space<semaphore_mem>>) src(%dma_wait3A_92 : memref<200000x64xf32, #tpu.memory_space<hbm>>) dst(%arg8 : memref<128x64xf32, #tpu.memory_space<vmem>>)
    %add3A_93 = arith.constant 256 : i32
    %add3A_94 = arith.addi %mul3A_2, %add3A_93 : i32
    %dma_start3A_95 = arith.constant 0 : i32
    %dma_start3A_96 = tpu.memref_slice %arg4[%add3A_94, %dma_start3A_95] : memref<106496x64xf32, #tpu.memory_space<hbm>> -> memref<128x64xf32, #tpu.memory_space<hbm>>
    %dma_start3A_97 = arith.constant 0 : i32
    %dma_start3A_98 = tpu.memref_slice %arg4[%add3A_94, %dma_start3A_97] : memref<106496x64xf32, #tpu.memory_space<hbm>> -> memref<128x64xf32, #tpu.memory_space<hbm>>
    tpu.enqueue_dma source(%arg8 : memref<128x64xf32, #tpu.memory_space<vmem>>) target(%dma_start3A_98 : memref<128x64xf32, #tpu.memory_space<hbm>>) target_semaphore(%arg34 : memref<!tpu.dma_semaphore, #tpu.memory_space<semaphore_mem>>)
    %dma_wait3A_99 = arith.constant 384 : i32
    %dma_wait3A_100 = tpu.memref_slice %arg5[%dma_wait3A_99] : memref<3328xi32, #tpu.memory_space<vmem>> -> memref<128xi32, #tpu.memory_space<vmem>>
    %dma_wait3A_101 = arith.constant 0 : i32
    %dma_wait3A_102 = arith.constant 0 : i32
    %dma_wait3A_103 = tpu.memref_slice %arg2[%dma_wait3A_101, %dma_wait3A_102] : memref<200000x64xf32, #tpu.memory_space<hbm>> -> memref<200000x64xf32, #tpu.memory_space<hbm>>
    tpu.wait_indirect_dma semaphore(%arg22 : memref<!tpu.dma_semaphore, #tpu.memory_space<semaphore_mem>>) src(%dma_wait3A_103 : memref<200000x64xf32, #tpu.memory_space<hbm>>) dst(%arg9 : memref<128x64xf32, #tpu.memory_space<vmem>>)
    %add3A_104 = arith.constant 384 : i32
    %add3A_105 = arith.addi %mul3A_2, %add3A_104 : i32
    %dma_start3A_106 = arith.constant 0 : i32
    %dma_start3A_107 = tpu.memref_slice %arg4[%add3A_105, %dma_start3A_106] : memref<106496x64xf32, #tpu.memory_space<hbm>> -> memref<128x64xf32, #tpu.memory_space<hbm>>
    %dma_start3A_108 = arith.constant 0 : i32
    %dma_start3A_109 = tpu.memref_slice %arg4[%add3A_105, %dma_start3A_108] : memref<106496x64xf32, #tpu.memory_space<hbm>> -> memref<128x64xf32, #tpu.memory_space<hbm>>
    tpu.enqueue_dma source(%arg9 : memref<128x64xf32, #tpu.memory_space<vmem>>) target(%dma_start3A_109 : memref<128x64xf32, #tpu.memory_space<hbm>>) target_semaphore(%arg35 : memref<!tpu.dma_semaphore, #tpu.memory_space<semaphore_mem>>)
    %dma_wait3A_110 = arith.constant 512 : i32
    %dma_wait3A_111 = tpu.memref_slice %arg5[%dma_wait3A_110] : memref<3328xi32, #tpu.memory_space<vmem>> -> memref<128xi32, #tpu.memory_space<vmem>>
    %dma_wait3A_112 = arith.constant 0 : i32
    %dma_wait3A_113 = arith.constant 0 : i32
    %dma_wait3A_114 = tpu.memref_slice %arg2[%dma_wait3A_112, %dma_wait3A_113] : memref<200000x64xf32, #tpu.memory_space<hbm>> -> memref<200000x64xf32, #tpu.memory_space<hbm>>
    tpu.wait_indirect_dma semaphore(%arg23 : memref<!tpu.dma_semaphore, #tpu.memory_space<semaphore_mem>>) src(%dma_wait3A_114 : memref<200000x64xf32, #tpu.memory_space<hbm>>) dst(%arg10 : memref<128x64xf32, #tpu.memory_space<vmem>>)
    %add3A_115 = arith.constant 512 : i32
    %add3A_116 = arith.addi %mul3A_2, %add3A_115 : i32
    %dma_start3A_117 = arith.constant 0 : i32
    %dma_start3A_118 = tpu.memref_slice %arg4[%add3A_116, %dma_start3A_117] : memref<106496x64xf32, #tpu.memory_space<hbm>> -> memref<128x64xf32, #tpu.memory_space<hbm>>
    %dma_start3A_119 = arith.constant 0 : i32
    %dma_start3A_120 = tpu.memref_slice %arg4[%add3A_116, %dma_start3A_119] : memref<106496x64xf32, #tpu.memory_space<hbm>> -> memref<128x64xf32, #tpu.memory_space<hbm>>
    tpu.enqueue_dma source(%arg10 : memref<128x64xf32, #tpu.memory_space<vmem>>) target(%dma_start3A_120 : memref<128x64xf32, #tpu.memory_space<hbm>>) target_semaphore(%arg36 : memref<!tpu.dma_semaphore, #tpu.memory_space<semaphore_mem>>)
    %dma_wait3A_121 = arith.constant 640 : i32
    %dma_wait3A_122 = tpu.memref_slice %arg5[%dma_wait3A_121] : memref<3328xi32, #tpu.memory_space<vmem>> -> memref<128xi32, #tpu.memory_space<vmem>>
    %dma_wait3A_123 = arith.constant 0 : i32
    %dma_wait3A_124 = arith.constant 0 : i32
    %dma_wait3A_125 = tpu.memref_slice %arg2[%dma_wait3A_123, %dma_wait3A_124] : memref<200000x64xf32, #tpu.memory_space<hbm>> -> memref<200000x64xf32, #tpu.memory_space<hbm>>
    tpu.wait_indirect_dma semaphore(%arg24 : memref<!tpu.dma_semaphore, #tpu.memory_space<semaphore_mem>>) src(%dma_wait3A_125 : memref<200000x64xf32, #tpu.memory_space<hbm>>) dst(%arg11 : memref<128x64xf32, #tpu.memory_space<vmem>>)
    %add3A_126 = arith.constant 640 : i32
    %add3A_127 = arith.addi %mul3A_2, %add3A_126 : i32
    %dma_start3A_128 = arith.constant 0 : i32
    %dma_start3A_129 = tpu.memref_slice %arg4[%add3A_127, %dma_start3A_128] : memref<106496x64xf32, #tpu.memory_space<hbm>> -> memref<128x64xf32, #tpu.memory_space<hbm>>
    %dma_start3A_130 = arith.constant 0 : i32
    %dma_start3A_131 = tpu.memref_slice %arg4[%add3A_127, %dma_start3A_130] : memref<106496x64xf32, #tpu.memory_space<hbm>> -> memref<128x64xf32, #tpu.memory_space<hbm>>
    tpu.enqueue_dma source(%arg11 : memref<128x64xf32, #tpu.memory_space<vmem>>) target(%dma_start3A_131 : memref<128x64xf32, #tpu.memory_space<hbm>>) target_semaphore(%arg37 : memref<!tpu.dma_semaphore, #tpu.memory_space<semaphore_mem>>)
    %dma_wait3A_132 = arith.constant 768 : i32
    %dma_wait3A_133 = tpu.memref_slice %arg5[%dma_wait3A_132] : memref<3328xi32, #tpu.memory_space<vmem>> -> memref<128xi32, #tpu.memory_space<vmem>>
    %dma_wait3A_134 = arith.constant 0 : i32
    %dma_wait3A_135 = arith.constant 0 : i32
    %dma_wait3A_136 = tpu.memref_slice %arg2[%dma_wait3A_134, %dma_wait3A_135] : memref<200000x64xf32, #tpu.memory_space<hbm>> -> memref<200000x64xf32, #tpu.memory_space<hbm>>
    tpu.wait_indirect_dma semaphore(%arg25 : memref<!tpu.dma_semaphore, #tpu.memory_space<semaphore_mem>>) src(%dma_wait3A_136 : memref<200000x64xf32, #tpu.memory_space<hbm>>) dst(%arg12 : memref<128x64xf32, #tpu.memory_space<vmem>>)
    %add3A_137 = arith.constant 768 : i32
    %add3A_138 = arith.addi %mul3A_2, %add3A_137 : i32
    %dma_start3A_139 = arith.constant 0 : i32
    %dma_start3A_140 = tpu.memref_slice %arg4[%add3A_138, %dma_start3A_139] : memref<106496x64xf32, #tpu.memory_space<hbm>> -> memref<128x64xf32, #tpu.memory_space<hbm>>
    %dma_start3A_141 = arith.constant 0 : i32
    %dma_start3A_142 = tpu.memref_slice %arg4[%add3A_138, %dma_start3A_141] : memref<106496x64xf32, #tpu.memory_space<hbm>> -> memref<128x64xf32, #tpu.memory_space<hbm>>
    tpu.enqueue_dma source(%arg12 : memref<128x64xf32, #tpu.memory_space<vmem>>) target(%dma_start3A_142 : memref<128x64xf32, #tpu.memory_space<hbm>>) target_semaphore(%arg38 : memref<!tpu.dma_semaphore, #tpu.memory_space<semaphore_mem>>)
    %dma_wait3A_143 = arith.constant 896 : i32
    %dma_wait3A_144 = tpu.memref_slice %arg5[%dma_wait3A_143] : memref<3328xi32, #tpu.memory_space<vmem>> -> memref<128xi32, #tpu.memory_space<vmem>>
    %dma_wait3A_145 = arith.constant 0 : i32
    %dma_wait3A_146 = arith.constant 0 : i32
    %dma_wait3A_147 = tpu.memref_slice %arg2[%dma_wait3A_145, %dma_wait3A_146] : memref<200000x64xf32, #tpu.memory_space<hbm>> -> memref<200000x64xf32, #tpu.memory_space<hbm>>
    tpu.wait_indirect_dma semaphore(%arg26 : memref<!tpu.dma_semaphore, #tpu.memory_space<semaphore_mem>>) src(%dma_wait3A_147 : memref<200000x64xf32, #tpu.memory_space<hbm>>) dst(%arg13 : memref<128x64xf32, #tpu.memory_space<vmem>>)
    %add3A_148 = arith.constant 896 : i32
    %add3A_149 = arith.addi %mul3A_2, %add3A_148 : i32
    %dma_start3A_150 = arith.constant 0 : i32
    %dma_start3A_151 = tpu.memref_slice %arg4[%add3A_149, %dma_start3A_150] : memref<106496x64xf32, #tpu.memory_space<hbm>> -> memref<128x64xf32, #tpu.memory_space<hbm>>
    %dma_start3A_152 = arith.constant 0 : i32
    %dma_start3A_153 = tpu.memref_slice %arg4[%add3A_149, %dma_start3A_152] : memref<106496x64xf32, #tpu.memory_space<hbm>> -> memref<128x64xf32, #tpu.memory_space<hbm>>
    tpu.enqueue_dma source(%arg13 : memref<128x64xf32, #tpu.memory_space<vmem>>) target(%dma_start3A_153 : memref<128x64xf32, #tpu.memory_space<hbm>>) target_semaphore(%arg39 : memref<!tpu.dma_semaphore, #tpu.memory_space<semaphore_mem>>)
    %dma_wait3A_154 = arith.constant 1024 : i32
    %dma_wait3A_155 = tpu.memref_slice %arg5[%dma_wait3A_154] : memref<3328xi32, #tpu.memory_space<vmem>> -> memref<128xi32, #tpu.memory_space<vmem>>
    %dma_wait3A_156 = arith.constant 0 : i32
    %dma_wait3A_157 = arith.constant 0 : i32
    %dma_wait3A_158 = tpu.memref_slice %arg2[%dma_wait3A_156, %dma_wait3A_157] : memref<200000x64xf32, #tpu.memory_space<hbm>> -> memref<200000x64xf32, #tpu.memory_space<hbm>>
    tpu.wait_indirect_dma semaphore(%arg27 : memref<!tpu.dma_semaphore, #tpu.memory_space<semaphore_mem>>) src(%dma_wait3A_158 : memref<200000x64xf32, #tpu.memory_space<hbm>>) dst(%arg14 : memref<128x64xf32, #tpu.memory_space<vmem>>)
    %add3A_159 = arith.constant 1024 : i32
    %add3A_160 = arith.addi %mul3A_2, %add3A_159 : i32
    %dma_start3A_161 = arith.constant 0 : i32
    %dma_start3A_162 = tpu.memref_slice %arg4[%add3A_160, %dma_start3A_161] : memref<106496x64xf32, #tpu.memory_space<hbm>> -> memref<128x64xf32, #tpu.memory_space<hbm>>
    %dma_start3A_163 = arith.constant 0 : i32
    %dma_start3A_164 = tpu.memref_slice %arg4[%add3A_160, %dma_start3A_163] : memref<106496x64xf32, #tpu.memory_space<hbm>> -> memref<128x64xf32, #tpu.memory_space<hbm>>
    tpu.enqueue_dma source(%arg14 : memref<128x64xf32, #tpu.memory_space<vmem>>) target(%dma_start3A_164 : memref<128x64xf32, #tpu.memory_space<hbm>>) target_semaphore(%arg40 : memref<!tpu.dma_semaphore, #tpu.memory_space<semaphore_mem>>)
    %dma_wait3A_165 = arith.constant 1152 : i32
    %dma_wait3A_166 = tpu.memref_slice %arg5[%dma_wait3A_165] : memref<3328xi32, #tpu.memory_space<vmem>> -> memref<128xi32, #tpu.memory_space<vmem>>
    %dma_wait3A_167 = arith.constant 0 : i32
    %dma_wait3A_168 = arith.constant 0 : i32
    %dma_wait3A_169 = tpu.memref_slice %arg2[%dma_wait3A_167, %dma_wait3A_168] : memref<200000x64xf32, #tpu.memory_space<hbm>> -> memref<200000x64xf32, #tpu.memory_space<hbm>>
    tpu.wait_indirect_dma semaphore(%arg28 : memref<!tpu.dma_semaphore, #tpu.memory_space<semaphore_mem>>) src(%dma_wait3A_169 : memref<200000x64xf32, #tpu.memory_space<hbm>>) dst(%arg15 : memref<128x64xf32, #tpu.memory_space<vmem>>)
    %add3A_170 = arith.constant 1152 : i32
    %add3A_171 = arith.addi %mul3A_2, %add3A_170 : i32
    %dma_start3A_172 = arith.constant 0 : i32
    %dma_start3A_173 = tpu.memref_slice %arg4[%add3A_171, %dma_start3A_172] : memref<106496x64xf32, #tpu.memory_space<hbm>> -> memref<128x64xf32, #tpu.memory_space<hbm>>
    %dma_start3A_174 = arith.constant 0 : i32
    %dma_start3A_175 = tpu.memref_slice %arg4[%add3A_171, %dma_start3A_174] : memref<106496x64xf32, #tpu.memory_space<hbm>> -> memref<128x64xf32, #tpu.memory_space<hbm>>
    tpu.enqueue_dma source(%arg15 : memref<128x64xf32, #tpu.memory_space<vmem>>) target(%dma_start3A_175 : memref<128x64xf32, #tpu.memory_space<hbm>>) target_semaphore(%arg41 : memref<!tpu.dma_semaphore, #tpu.memory_space<semaphore_mem>>)
    %dma_wait3A_176 = arith.constant 1280 : i32
    %dma_wait3A_177 = tpu.memref_slice %arg5[%dma_wait3A_176] : memref<3328xi32, #tpu.memory_space<vmem>> -> memref<128xi32, #tpu.memory_space<vmem>>
    %dma_wait3A_178 = arith.constant 0 : i32
    %dma_wait3A_179 = arith.constant 0 : i32
    %dma_wait3A_180 = tpu.memref_slice %arg2[%dma_wait3A_178, %dma_wait3A_179] : memref<200000x64xf32, #tpu.memory_space<hbm>> -> memref<200000x64xf32, #tpu.memory_space<hbm>>
    tpu.wait_indirect_dma semaphore(%arg29 : memref<!tpu.dma_semaphore, #tpu.memory_space<semaphore_mem>>) src(%dma_wait3A_180 : memref<200000x64xf32, #tpu.memory_space<hbm>>) dst(%arg16 : memref<128x64xf32, #tpu.memory_space<vmem>>)
    %add3A_181 = arith.constant 1280 : i32
    %add3A_182 = arith.addi %mul3A_2, %add3A_181 : i32
    %dma_start3A_183 = arith.constant 0 : i32
    %dma_start3A_184 = tpu.memref_slice %arg4[%add3A_182, %dma_start3A_183] : memref<106496x64xf32, #tpu.memory_space<hbm>> -> memref<128x64xf32, #tpu.memory_space<hbm>>
    %dma_start3A_185 = arith.constant 0 : i32
    %dma_start3A_186 = tpu.memref_slice %arg4[%add3A_182, %dma_start3A_185] : memref<106496x64xf32, #tpu.memory_space<hbm>> -> memref<128x64xf32, #tpu.memory_space<hbm>>
    tpu.enqueue_dma source(%arg16 : memref<128x64xf32, #tpu.memory_space<vmem>>) target(%dma_start3A_186 : memref<128x64xf32, #tpu.memory_space<hbm>>) target_semaphore(%arg42 : memref<!tpu.dma_semaphore, #tpu.memory_space<semaphore_mem>>)
    %dma_wait3A_187 = arith.constant 1408 : i32
    %dma_wait3A_188 = tpu.memref_slice %arg5[%dma_wait3A_187] : memref<3328xi32, #tpu.memory_space<vmem>> -> memref<128xi32, #tpu.memory_space<vmem>>
    %dma_wait3A_189 = arith.constant 0 : i32
    %dma_wait3A_190 = arith.constant 0 : i32
    %dma_wait3A_191 = tpu.memref_slice %arg2[%dma_wait3A_189, %dma_wait3A_190] : memref<200000x64xf32, #tpu.memory_space<hbm>> -> memref<200000x64xf32, #tpu.memory_space<hbm>>
    tpu.wait_indirect_dma semaphore(%arg30 : memref<!tpu.dma_semaphore, #tpu.memory_space<semaphore_mem>>) src(%dma_wait3A_191 : memref<200000x64xf32, #tpu.memory_space<hbm>>) dst(%arg17 : memref<128x64xf32, #tpu.memory_space<vmem>>)
    %add3A_192 = arith.constant 1408 : i32
    %add3A_193 = arith.addi %mul3A_2, %add3A_192 : i32
    %dma_start3A_194 = arith.constant 0 : i32
    %dma_start3A_195 = tpu.memref_slice %arg4[%add3A_193, %dma_start3A_194] : memref<106496x64xf32, #tpu.memory_space<hbm>> -> memref<128x64xf32, #tpu.memory_space<hbm>>
    %dma_start3A_196 = arith.constant 0 : i32
    %dma_start3A_197 = tpu.memref_slice %arg4[%add3A_193, %dma_start3A_196] : memref<106496x64xf32, #tpu.memory_space<hbm>> -> memref<128x64xf32, #tpu.memory_space<hbm>>
    tpu.enqueue_dma source(%arg17 : memref<128x64xf32, #tpu.memory_space<vmem>>) target(%dma_start3A_197 : memref<128x64xf32, #tpu.memory_space<hbm>>) target_semaphore(%arg43 : memref<!tpu.dma_semaphore, #tpu.memory_space<semaphore_mem>>)
    %dma_wait3A_198 = arith.constant 1536 : i32
    %dma_wait3A_199 = tpu.memref_slice %arg5[%dma_wait3A_198] : memref<3328xi32, #tpu.memory_space<vmem>> -> memref<128xi32, #tpu.memory_space<vmem>>
    %dma_wait3A_200 = arith.constant 0 : i32
    %dma_wait3A_201 = arith.constant 0 : i32
    %dma_wait3A_202 = tpu.memref_slice %arg2[%dma_wait3A_200, %dma_wait3A_201] : memref<200000x64xf32, #tpu.memory_space<hbm>> -> memref<200000x64xf32, #tpu.memory_space<hbm>>
    tpu.wait_indirect_dma semaphore(%arg31 : memref<!tpu.dma_semaphore, #tpu.memory_space<semaphore_mem>>) src(%dma_wait3A_202 : memref<200000x64xf32, #tpu.memory_space<hbm>>) dst(%arg18 : memref<128x64xf32, #tpu.memory_space<vmem>>)
    %add3A_203 = arith.constant 1536 : i32
    %add3A_204 = arith.addi %mul3A_2, %add3A_203 : i32
    %dma_start3A_205 = arith.constant 0 : i32
    %dma_start3A_206 = tpu.memref_slice %arg4[%add3A_204, %dma_start3A_205] : memref<106496x64xf32, #tpu.memory_space<hbm>> -> memref<128x64xf32, #tpu.memory_space<hbm>>
    %dma_start3A_207 = arith.constant 0 : i32
    %dma_start3A_208 = tpu.memref_slice %arg4[%add3A_204, %dma_start3A_207] : memref<106496x64xf32, #tpu.memory_space<hbm>> -> memref<128x64xf32, #tpu.memory_space<hbm>>
    tpu.enqueue_dma source(%arg18 : memref<128x64xf32, #tpu.memory_space<vmem>>) target(%dma_start3A_208 : memref<128x64xf32, #tpu.memory_space<hbm>>) target_semaphore(%arg44 : memref<!tpu.dma_semaphore, #tpu.memory_space<semaphore_mem>>)
    %add3A_209 = arith.constant 0 : i32
    %add3A_210 = arith.addi %mul3A_2, %add3A_209 : i32
    %dma_wait3A_211 = arith.constant 0 : i32
    %dma_wait3A_212 = tpu.memref_slice %arg4[%add3A_210, %dma_wait3A_211] : memref<106496x64xf32, #tpu.memory_space<hbm>> -> memref<128x64xf32, #tpu.memory_space<hbm>>
    %dma_wait3A_213 = arith.constant 0 : i32
    %dma_wait3A_214 = tpu.memref_slice %arg4[%add3A_210, %dma_wait3A_213] : memref<106496x64xf32, #tpu.memory_space<hbm>> -> memref<128x64xf32, #tpu.memory_space<hbm>>
    tpu.wait_dma2 semaphore(%arg32 : memref<!tpu.dma_semaphore, #tpu.memory_space<semaphore_mem>>) src(%arg6 : memref<128x64xf32, #tpu.memory_space<vmem>>) dst(%dma_wait3A_214 : memref<128x64xf32, #tpu.memory_space<hbm>>)
    %dma_start3A_215 = arith.constant 1664 : i32
    %dma_start3A_216 = tpu.memref_slice %arg5[%dma_start3A_215] : memref<3328xi32, #tpu.memory_space<vmem>> -> memref<128xi32, #tpu.memory_space<vmem>>
    %dma_start3A_217 = arith.constant 0 : i32
    %dma_start3A_218 = arith.constant 0 : i32
    %dma_start3A_219 = tpu.memref_slice %arg2[%dma_start3A_217, %dma_start3A_218] : memref<200000x64xf32, #tpu.memory_space<hbm>> -> memref<200000x64xf32, #tpu.memory_space<hbm>>
    tpu.enqueue_indirect_dma source(%dma_start3A_219 : memref<200000x64xf32, #tpu.memory_space<hbm>>) target(%arg6 : memref<128x64xf32, #tpu.memory_space<vmem>>) offsets(%dma_start3A_216 : memref<128xi32, #tpu.memory_space<vmem>>) semaphore(%arg19 : memref<!tpu.dma_semaphore, #tpu.memory_space<semaphore_mem>>)
    %add3A_220 = arith.constant 128 : i32
    %add3A_221 = arith.addi %mul3A_2, %add3A_220 : i32
    %dma_wait3A_222 = arith.constant 0 : i32
    %dma_wait3A_223 = tpu.memref_slice %arg4[%add3A_221, %dma_wait3A_222] : memref<106496x64xf32, #tpu.memory_space<hbm>> -> memref<128x64xf32, #tpu.memory_space<hbm>>
    %dma_wait3A_224 = arith.constant 0 : i32
    %dma_wait3A_225 = tpu.memref_slice %arg4[%add3A_221, %dma_wait3A_224] : memref<106496x64xf32, #tpu.memory_space<hbm>> -> memref<128x64xf32, #tpu.memory_space<hbm>>
    tpu.wait_dma2 semaphore(%arg33 : memref<!tpu.dma_semaphore, #tpu.memory_space<semaphore_mem>>) src(%arg7 : memref<128x64xf32, #tpu.memory_space<vmem>>) dst(%dma_wait3A_225 : memref<128x64xf32, #tpu.memory_space<hbm>>)
    %dma_start3A_226 = arith.constant 1792 : i32
    %dma_start3A_227 = tpu.memref_slice %arg5[%dma_start3A_226] : memref<3328xi32, #tpu.memory_space<vmem>> -> memref<128xi32, #tpu.memory_space<vmem>>
    %dma_start3A_228 = arith.constant 0 : i32
    %dma_start3A_229 = arith.constant 0 : i32
    %dma_start3A_230 = tpu.memref_slice %arg2[%dma_start3A_228, %dma_start3A_229] : memref<200000x64xf32, #tpu.memory_space<hbm>> -> memref<200000x64xf32, #tpu.memory_space<hbm>>
    tpu.enqueue_indirect_dma source(%dma_start3A_230 : memref<200000x64xf32, #tpu.memory_space<hbm>>) target(%arg7 : memref<128x64xf32, #tpu.memory_space<vmem>>) offsets(%dma_start3A_227 : memref<128xi32, #tpu.memory_space<vmem>>) semaphore(%arg20 : memref<!tpu.dma_semaphore, #tpu.memory_space<semaphore_mem>>)
    %add3A_231 = arith.constant 256 : i32
    %add3A_232 = arith.addi %mul3A_2, %add3A_231 : i32
    %dma_wait3A_233 = arith.constant 0 : i32
    %dma_wait3A_234 = tpu.memref_slice %arg4[%add3A_232, %dma_wait3A_233] : memref<106496x64xf32, #tpu.memory_space<hbm>> -> memref<128x64xf32, #tpu.memory_space<hbm>>
    %dma_wait3A_235 = arith.constant 0 : i32
    %dma_wait3A_236 = tpu.memref_slice %arg4[%add3A_232, %dma_wait3A_235] : memref<106496x64xf32, #tpu.memory_space<hbm>> -> memref<128x64xf32, #tpu.memory_space<hbm>>
    tpu.wait_dma2 semaphore(%arg34 : memref<!tpu.dma_semaphore, #tpu.memory_space<semaphore_mem>>) src(%arg8 : memref<128x64xf32, #tpu.memory_space<vmem>>) dst(%dma_wait3A_236 : memref<128x64xf32, #tpu.memory_space<hbm>>)
    %dma_start3A_237 = arith.constant 1920 : i32
    %dma_start3A_238 = tpu.memref_slice %arg5[%dma_start3A_237] : memref<3328xi32, #tpu.memory_space<vmem>> -> memref<128xi32, #tpu.memory_space<vmem>>
    %dma_start3A_239 = arith.constant 0 : i32
    %dma_start3A_240 = arith.constant 0 : i32
    %dma_start3A_241 = tpu.memref_slice %arg2[%dma_start3A_239, %dma_start3A_240] : memref<200000x64xf32, #tpu.memory_space<hbm>> -> memref<200000x64xf32, #tpu.memory_space<hbm>>
    tpu.enqueue_indirect_dma source(%dma_start3A_241 : memref<200000x64xf32, #tpu.memory_space<hbm>>) target(%arg8 : memref<128x64xf32, #tpu.memory_space<vmem>>) offsets(%dma_start3A_238 : memref<128xi32, #tpu.memory_space<vmem>>) semaphore(%arg21 : memref<!tpu.dma_semaphore, #tpu.memory_space<semaphore_mem>>)
    %add3A_242 = arith.constant 384 : i32
    %add3A_243 = arith.addi %mul3A_2, %add3A_242 : i32
    %dma_wait3A_244 = arith.constant 0 : i32
    %dma_wait3A_245 = tpu.memref_slice %arg4[%add3A_243, %dma_wait3A_244] : memref<106496x64xf32, #tpu.memory_space<hbm>> -> memref<128x64xf32, #tpu.memory_space<hbm>>
    %dma_wait3A_246 = arith.constant 0 : i32
    %dma_wait3A_247 = tpu.memref_slice %arg4[%add3A_243, %dma_wait3A_246] : memref<106496x64xf32, #tpu.memory_space<hbm>> -> memref<128x64xf32, #tpu.memory_space<hbm>>
    tpu.wait_dma2 semaphore(%arg35 : memref<!tpu.dma_semaphore, #tpu.memory_space<semaphore_mem>>) src(%arg9 : memref<128x64xf32, #tpu.memory_space<vmem>>) dst(%dma_wait3A_247 : memref<128x64xf32, #tpu.memory_space<hbm>>)
    %dma_start3A_248 = arith.constant 2048 : i32
    %dma_start3A_249 = tpu.memref_slice %arg5[%dma_start3A_248] : memref<3328xi32, #tpu.memory_space<vmem>> -> memref<128xi32, #tpu.memory_space<vmem>>
    %dma_start3A_250 = arith.constant 0 : i32
    %dma_start3A_251 = arith.constant 0 : i32
    %dma_start3A_252 = tpu.memref_slice %arg2[%dma_start3A_250, %dma_start3A_251] : memref<200000x64xf32, #tpu.memory_space<hbm>> -> memref<200000x64xf32, #tpu.memory_space<hbm>>
    tpu.enqueue_indirect_dma source(%dma_start3A_252 : memref<200000x64xf32, #tpu.memory_space<hbm>>) target(%arg9 : memref<128x64xf32, #tpu.memory_space<vmem>>) offsets(%dma_start3A_249 : memref<128xi32, #tpu.memory_space<vmem>>) semaphore(%arg22 : memref<!tpu.dma_semaphore, #tpu.memory_space<semaphore_mem>>)
    %add3A_253 = arith.constant 512 : i32
    %add3A_254 = arith.addi %mul3A_2, %add3A_253 : i32
    %dma_wait3A_255 = arith.constant 0 : i32
    %dma_wait3A_256 = tpu.memref_slice %arg4[%add3A_254, %dma_wait3A_255] : memref<106496x64xf32, #tpu.memory_space<hbm>> -> memref<128x64xf32, #tpu.memory_space<hbm>>
    %dma_wait3A_257 = arith.constant 0 : i32
    %dma_wait3A_258 = tpu.memref_slice %arg4[%add3A_254, %dma_wait3A_257] : memref<106496x64xf32, #tpu.memory_space<hbm>> -> memref<128x64xf32, #tpu.memory_space<hbm>>
    tpu.wait_dma2 semaphore(%arg36 : memref<!tpu.dma_semaphore, #tpu.memory_space<semaphore_mem>>) src(%arg10 : memref<128x64xf32, #tpu.memory_space<vmem>>) dst(%dma_wait3A_258 : memref<128x64xf32, #tpu.memory_space<hbm>>)
    %dma_start3A_259 = arith.constant 2176 : i32
    %dma_start3A_260 = tpu.memref_slice %arg5[%dma_start3A_259] : memref<3328xi32, #tpu.memory_space<vmem>> -> memref<128xi32, #tpu.memory_space<vmem>>
    %dma_start3A_261 = arith.constant 0 : i32
    %dma_start3A_262 = arith.constant 0 : i32
    %dma_start3A_263 = tpu.memref_slice %arg2[%dma_start3A_261, %dma_start3A_262] : memref<200000x64xf32, #tpu.memory_space<hbm>> -> memref<200000x64xf32, #tpu.memory_space<hbm>>
    tpu.enqueue_indirect_dma source(%dma_start3A_263 : memref<200000x64xf32, #tpu.memory_space<hbm>>) target(%arg10 : memref<128x64xf32, #tpu.memory_space<vmem>>) offsets(%dma_start3A_260 : memref<128xi32, #tpu.memory_space<vmem>>) semaphore(%arg23 : memref<!tpu.dma_semaphore, #tpu.memory_space<semaphore_mem>>)
    %add3A_264 = arith.constant 640 : i32
    %add3A_265 = arith.addi %mul3A_2, %add3A_264 : i32
    %dma_wait3A_266 = arith.constant 0 : i32
    %dma_wait3A_267 = tpu.memref_slice %arg4[%add3A_265, %dma_wait3A_266] : memref<106496x64xf32, #tpu.memory_space<hbm>> -> memref<128x64xf32, #tpu.memory_space<hbm>>
    %dma_wait3A_268 = arith.constant 0 : i32
    %dma_wait3A_269 = tpu.memref_slice %arg4[%add3A_265, %dma_wait3A_268] : memref<106496x64xf32, #tpu.memory_space<hbm>> -> memref<128x64xf32, #tpu.memory_space<hbm>>
    tpu.wait_dma2 semaphore(%arg37 : memref<!tpu.dma_semaphore, #tpu.memory_space<semaphore_mem>>) src(%arg11 : memref<128x64xf32, #tpu.memory_space<vmem>>) dst(%dma_wait3A_269 : memref<128x64xf32, #tpu.memory_space<hbm>>)
    %dma_start3A_270 = arith.constant 2304 : i32
    %dma_start3A_271 = tpu.memref_slice %arg5[%dma_start3A_270] : memref<3328xi32, #tpu.memory_space<vmem>> -> memref<128xi32, #tpu.memory_space<vmem>>
    %dma_start3A_272 = arith.constant 0 : i32
    %dma_start3A_273 = arith.constant 0 : i32
    %dma_start3A_274 = tpu.memref_slice %arg2[%dma_start3A_272, %dma_start3A_273] : memref<200000x64xf32, #tpu.memory_space<hbm>> -> memref<200000x64xf32, #tpu.memory_space<hbm>>
    tpu.enqueue_indirect_dma source(%dma_start3A_274 : memref<200000x64xf32, #tpu.memory_space<hbm>>) target(%arg11 : memref<128x64xf32, #tpu.memory_space<vmem>>) offsets(%dma_start3A_271 : memref<128xi32, #tpu.memory_space<vmem>>) semaphore(%arg24 : memref<!tpu.dma_semaphore, #tpu.memory_space<semaphore_mem>>)
    %add3A_275 = arith.constant 768 : i32
    %add3A_276 = arith.addi %mul3A_2, %add3A_275 : i32
    %dma_wait3A_277 = arith.constant 0 : i32
    %dma_wait3A_278 = tpu.memref_slice %arg4[%add3A_276, %dma_wait3A_277] : memref<106496x64xf32, #tpu.memory_space<hbm>> -> memref<128x64xf32, #tpu.memory_space<hbm>>
    %dma_wait3A_279 = arith.constant 0 : i32
    %dma_wait3A_280 = tpu.memref_slice %arg4[%add3A_276, %dma_wait3A_279] : memref<106496x64xf32, #tpu.memory_space<hbm>> -> memref<128x64xf32, #tpu.memory_space<hbm>>
    tpu.wait_dma2 semaphore(%arg38 : memref<!tpu.dma_semaphore, #tpu.memory_space<semaphore_mem>>) src(%arg12 : memref<128x64xf32, #tpu.memory_space<vmem>>) dst(%dma_wait3A_280 : memref<128x64xf32, #tpu.memory_space<hbm>>)
    %dma_start3A_281 = arith.constant 2432 : i32
    %dma_start3A_282 = tpu.memref_slice %arg5[%dma_start3A_281] : memref<3328xi32, #tpu.memory_space<vmem>> -> memref<128xi32, #tpu.memory_space<vmem>>
    %dma_start3A_283 = arith.constant 0 : i32
    %dma_start3A_284 = arith.constant 0 : i32
    %dma_start3A_285 = tpu.memref_slice %arg2[%dma_start3A_283, %dma_start3A_284] : memref<200000x64xf32, #tpu.memory_space<hbm>> -> memref<200000x64xf32, #tpu.memory_space<hbm>>
    tpu.enqueue_indirect_dma source(%dma_start3A_285 : memref<200000x64xf32, #tpu.memory_space<hbm>>) target(%arg12 : memref<128x64xf32, #tpu.memory_space<vmem>>) offsets(%dma_start3A_282 : memref<128xi32, #tpu.memory_space<vmem>>) semaphore(%arg25 : memref<!tpu.dma_semaphore, #tpu.memory_space<semaphore_mem>>)
    %add3A_286 = arith.constant 896 : i32
    %add3A_287 = arith.addi %mul3A_2, %add3A_286 : i32
    %dma_wait3A_288 = arith.constant 0 : i32
    %dma_wait3A_289 = tpu.memref_slice %arg4[%add3A_287, %dma_wait3A_288] : memref<106496x64xf32, #tpu.memory_space<hbm>> -> memref<128x64xf32, #tpu.memory_space<hbm>>
    %dma_wait3A_290 = arith.constant 0 : i32
    %dma_wait3A_291 = tpu.memref_slice %arg4[%add3A_287, %dma_wait3A_290] : memref<106496x64xf32, #tpu.memory_space<hbm>> -> memref<128x64xf32, #tpu.memory_space<hbm>>
    tpu.wait_dma2 semaphore(%arg39 : memref<!tpu.dma_semaphore, #tpu.memory_space<semaphore_mem>>) src(%arg13 : memref<128x64xf32, #tpu.memory_space<vmem>>) dst(%dma_wait3A_291 : memref<128x64xf32, #tpu.memory_space<hbm>>)
    %dma_start3A_292 = arith.constant 2560 : i32
    %dma_start3A_293 = tpu.memref_slice %arg5[%dma_start3A_292] : memref<3328xi32, #tpu.memory_space<vmem>> -> memref<128xi32, #tpu.memory_space<vmem>>
    %dma_start3A_294 = arith.constant 0 : i32
    %dma_start3A_295 = arith.constant 0 : i32
    %dma_start3A_296 = tpu.memref_slice %arg2[%dma_start3A_294, %dma_start3A_295] : memref<200000x64xf32, #tpu.memory_space<hbm>> -> memref<200000x64xf32, #tpu.memory_space<hbm>>
    tpu.enqueue_indirect_dma source(%dma_start3A_296 : memref<200000x64xf32, #tpu.memory_space<hbm>>) target(%arg13 : memref<128x64xf32, #tpu.memory_space<vmem>>) offsets(%dma_start3A_293 : memref<128xi32, #tpu.memory_space<vmem>>) semaphore(%arg26 : memref<!tpu.dma_semaphore, #tpu.memory_space<semaphore_mem>>)
    %add3A_297 = arith.constant 1024 : i32
    %add3A_298 = arith.addi %mul3A_2, %add3A_297 : i32
    %dma_wait3A_299 = arith.constant 0 : i32
    %dma_wait3A_300 = tpu.memref_slice %arg4[%add3A_298, %dma_wait3A_299] : memref<106496x64xf32, #tpu.memory_space<hbm>> -> memref<128x64xf32, #tpu.memory_space<hbm>>
    %dma_wait3A_301 = arith.constant 0 : i32
    %dma_wait3A_302 = tpu.memref_slice %arg4[%add3A_298, %dma_wait3A_301] : memref<106496x64xf32, #tpu.memory_space<hbm>> -> memref<128x64xf32, #tpu.memory_space<hbm>>
    tpu.wait_dma2 semaphore(%arg40 : memref<!tpu.dma_semaphore, #tpu.memory_space<semaphore_mem>>) src(%arg14 : memref<128x64xf32, #tpu.memory_space<vmem>>) dst(%dma_wait3A_302 : memref<128x64xf32, #tpu.memory_space<hbm>>)
    %dma_start3A_303 = arith.constant 2688 : i32
    %dma_start3A_304 = tpu.memref_slice %arg5[%dma_start3A_303] : memref<3328xi32, #tpu.memory_space<vmem>> -> memref<128xi32, #tpu.memory_space<vmem>>
    %dma_start3A_305 = arith.constant 0 : i32
    %dma_start3A_306 = arith.constant 0 : i32
    %dma_start3A_307 = tpu.memref_slice %arg2[%dma_start3A_305, %dma_start3A_306] : memref<200000x64xf32, #tpu.memory_space<hbm>> -> memref<200000x64xf32, #tpu.memory_space<hbm>>
    tpu.enqueue_indirect_dma source(%dma_start3A_307 : memref<200000x64xf32, #tpu.memory_space<hbm>>) target(%arg14 : memref<128x64xf32, #tpu.memory_space<vmem>>) offsets(%dma_start3A_304 : memref<128xi32, #tpu.memory_space<vmem>>) semaphore(%arg27 : memref<!tpu.dma_semaphore, #tpu.memory_space<semaphore_mem>>)
    %add3A_308 = arith.constant 1152 : i32
    %add3A_309 = arith.addi %mul3A_2, %add3A_308 : i32
    %dma_wait3A_310 = arith.constant 0 : i32
    %dma_wait3A_311 = tpu.memref_slice %arg4[%add3A_309, %dma_wait3A_310] : memref<106496x64xf32, #tpu.memory_space<hbm>> -> memref<128x64xf32, #tpu.memory_space<hbm>>
    %dma_wait3A_312 = arith.constant 0 : i32
    %dma_wait3A_313 = tpu.memref_slice %arg4[%add3A_309, %dma_wait3A_312] : memref<106496x64xf32, #tpu.memory_space<hbm>> -> memref<128x64xf32, #tpu.memory_space<hbm>>
    tpu.wait_dma2 semaphore(%arg41 : memref<!tpu.dma_semaphore, #tpu.memory_space<semaphore_mem>>) src(%arg15 : memref<128x64xf32, #tpu.memory_space<vmem>>) dst(%dma_wait3A_313 : memref<128x64xf32, #tpu.memory_space<hbm>>)
    %dma_start3A_314 = arith.constant 2816 : i32
    %dma_start3A_315 = tpu.memref_slice %arg5[%dma_start3A_314] : memref<3328xi32, #tpu.memory_space<vmem>> -> memref<128xi32, #tpu.memory_space<vmem>>
    %dma_start3A_316 = arith.constant 0 : i32
    %dma_start3A_317 = arith.constant 0 : i32
    %dma_start3A_318 = tpu.memref_slice %arg2[%dma_start3A_316, %dma_start3A_317] : memref<200000x64xf32, #tpu.memory_space<hbm>> -> memref<200000x64xf32, #tpu.memory_space<hbm>>
    tpu.enqueue_indirect_dma source(%dma_start3A_318 : memref<200000x64xf32, #tpu.memory_space<hbm>>) target(%arg15 : memref<128x64xf32, #tpu.memory_space<vmem>>) offsets(%dma_start3A_315 : memref<128xi32, #tpu.memory_space<vmem>>) semaphore(%arg28 : memref<!tpu.dma_semaphore, #tpu.memory_space<semaphore_mem>>)
    %add3A_319 = arith.constant 1280 : i32
    %add3A_320 = arith.addi %mul3A_2, %add3A_319 : i32
    %dma_wait3A_321 = arith.constant 0 : i32
    %dma_wait3A_322 = tpu.memref_slice %arg4[%add3A_320, %dma_wait3A_321] : memref<106496x64xf32, #tpu.memory_space<hbm>> -> memref<128x64xf32, #tpu.memory_space<hbm>>
    %dma_wait3A_323 = arith.constant 0 : i32
    %dma_wait3A_324 = tpu.memref_slice %arg4[%add3A_320, %dma_wait3A_323] : memref<106496x64xf32, #tpu.memory_space<hbm>> -> memref<128x64xf32, #tpu.memory_space<hbm>>
    tpu.wait_dma2 semaphore(%arg42 : memref<!tpu.dma_semaphore, #tpu.memory_space<semaphore_mem>>) src(%arg16 : memref<128x64xf32, #tpu.memory_space<vmem>>) dst(%dma_wait3A_324 : memref<128x64xf32, #tpu.memory_space<hbm>>)
    %dma_start3A_325 = arith.constant 2944 : i32
    %dma_start3A_326 = tpu.memref_slice %arg5[%dma_start3A_325] : memref<3328xi32, #tpu.memory_space<vmem>> -> memref<128xi32, #tpu.memory_space<vmem>>
    %dma_start3A_327 = arith.constant 0 : i32
    %dma_start3A_328 = arith.constant 0 : i32
    %dma_start3A_329 = tpu.memref_slice %arg2[%dma_start3A_327, %dma_start3A_328] : memref<200000x64xf32, #tpu.memory_space<hbm>> -> memref<200000x64xf32, #tpu.memory_space<hbm>>
    tpu.enqueue_indirect_dma source(%dma_start3A_329 : memref<200000x64xf32, #tpu.memory_space<hbm>>) target(%arg16 : memref<128x64xf32, #tpu.memory_space<vmem>>) offsets(%dma_start3A_326 : memref<128xi32, #tpu.memory_space<vmem>>) semaphore(%arg29 : memref<!tpu.dma_semaphore, #tpu.memory_space<semaphore_mem>>)
    %add3A_330 = arith.constant 1408 : i32
    %add3A_331 = arith.addi %mul3A_2, %add3A_330 : i32
    %dma_wait3A_332 = arith.constant 0 : i32
    %dma_wait3A_333 = tpu.memref_slice %arg4[%add3A_331, %dma_wait3A_332] : memref<106496x64xf32, #tpu.memory_space<hbm>> -> memref<128x64xf32, #tpu.memory_space<hbm>>
    %dma_wait3A_334 = arith.constant 0 : i32
    %dma_wait3A_335 = tpu.memref_slice %arg4[%add3A_331, %dma_wait3A_334] : memref<106496x64xf32, #tpu.memory_space<hbm>> -> memref<128x64xf32, #tpu.memory_space<hbm>>
    tpu.wait_dma2 semaphore(%arg43 : memref<!tpu.dma_semaphore, #tpu.memory_space<semaphore_mem>>) src(%arg17 : memref<128x64xf32, #tpu.memory_space<vmem>>) dst(%dma_wait3A_335 : memref<128x64xf32, #tpu.memory_space<hbm>>)
    %dma_start3A_336 = arith.constant 3072 : i32
    %dma_start3A_337 = tpu.memref_slice %arg5[%dma_start3A_336] : memref<3328xi32, #tpu.memory_space<vmem>> -> memref<128xi32, #tpu.memory_space<vmem>>
    %dma_start3A_338 = arith.constant 0 : i32
    %dma_start3A_339 = arith.constant 0 : i32
    %dma_start3A_340 = tpu.memref_slice %arg2[%dma_start3A_338, %dma_start3A_339] : memref<200000x64xf32, #tpu.memory_space<hbm>> -> memref<200000x64xf32, #tpu.memory_space<hbm>>
    tpu.enqueue_indirect_dma source(%dma_start3A_340 : memref<200000x64xf32, #tpu.memory_space<hbm>>) target(%arg17 : memref<128x64xf32, #tpu.memory_space<vmem>>) offsets(%dma_start3A_337 : memref<128xi32, #tpu.memory_space<vmem>>) semaphore(%arg30 : memref<!tpu.dma_semaphore, #tpu.memory_space<semaphore_mem>>)
    %add3A_341 = arith.constant 1536 : i32
    %add3A_342 = arith.addi %mul3A_2, %add3A_341 : i32
    %dma_wait3A_343 = arith.constant 0 : i32
    %dma_wait3A_344 = tpu.memref_slice %arg4[%add3A_342, %dma_wait3A_343] : memref<106496x64xf32, #tpu.memory_space<hbm>> -> memref<128x64xf32, #tpu.memory_space<hbm>>
    %dma_wait3A_345 = arith.constant 0 : i32
    %dma_wait3A_346 = tpu.memref_slice %arg4[%add3A_342, %dma_wait3A_345] : memref<106496x64xf32, #tpu.memory_space<hbm>> -> memref<128x64xf32, #tpu.memory_space<hbm>>
    tpu.wait_dma2 semaphore(%arg44 : memref<!tpu.dma_semaphore, #tpu.memory_space<semaphore_mem>>) src(%arg18 : memref<128x64xf32, #tpu.memory_space<vmem>>) dst(%dma_wait3A_346 : memref<128x64xf32, #tpu.memory_space<hbm>>)
    %dma_start3A_347 = arith.constant 3200 : i32
    %dma_start3A_348 = tpu.memref_slice %arg5[%dma_start3A_347] : memref<3328xi32, #tpu.memory_space<vmem>> -> memref<128xi32, #tpu.memory_space<vmem>>
    %dma_start3A_349 = arith.constant 0 : i32
    %dma_start3A_350 = arith.constant 0 : i32
    %dma_start3A_351 = tpu.memref_slice %arg2[%dma_start3A_349, %dma_start3A_350] : memref<200000x64xf32, #tpu.memory_space<hbm>> -> memref<200000x64xf32, #tpu.memory_space<hbm>>
    tpu.enqueue_indirect_dma source(%dma_start3A_351 : memref<200000x64xf32, #tpu.memory_space<hbm>>) target(%arg18 : memref<128x64xf32, #tpu.memory_space<vmem>>) offsets(%dma_start3A_348 : memref<128xi32, #tpu.memory_space<vmem>>) semaphore(%arg31 : memref<!tpu.dma_semaphore, #tpu.memory_space<semaphore_mem>>)
    %dma_wait3A_352 = arith.constant 1664 : i32
    %dma_wait3A_353 = tpu.memref_slice %arg5[%dma_wait3A_352] : memref<3328xi32, #tpu.memory_space<vmem>> -> memref<128xi32, #tpu.memory_space<vmem>>
    %dma_wait3A_354 = arith.constant 0 : i32
    %dma_wait3A_355 = arith.constant 0 : i32
    %dma_wait3A_356 = tpu.memref_slice %arg2[%dma_wait3A_354, %dma_wait3A_355] : memref<200000x64xf32, #tpu.memory_space<hbm>> -> memref<200000x64xf32, #tpu.memory_space<hbm>>
    tpu.wait_indirect_dma semaphore(%arg19 : memref<!tpu.dma_semaphore, #tpu.memory_space<semaphore_mem>>) src(%dma_wait3A_356 : memref<200000x64xf32, #tpu.memory_space<hbm>>) dst(%arg6 : memref<128x64xf32, #tpu.memory_space<vmem>>)
    %add3A_357 = arith.constant 1664 : i32
    %add3A_358 = arith.addi %mul3A_2, %add3A_357 : i32
    %dma_start3A_359 = arith.constant 0 : i32
    %dma_start3A_360 = tpu.memref_slice %arg4[%add3A_358, %dma_start3A_359] : memref<106496x64xf32, #tpu.memory_space<hbm>> -> memref<128x64xf32, #tpu.memory_space<hbm>>
    %dma_start3A_361 = arith.constant 0 : i32
    %dma_start3A_362 = tpu.memref_slice %arg4[%add3A_358, %dma_start3A_361] : memref<106496x64xf32, #tpu.memory_space<hbm>> -> memref<128x64xf32, #tpu.memory_space<hbm>>
    tpu.enqueue_dma source(%arg6 : memref<128x64xf32, #tpu.memory_space<vmem>>) target(%dma_start3A_362 : memref<128x64xf32, #tpu.memory_space<hbm>>) target_semaphore(%arg32 : memref<!tpu.dma_semaphore, #tpu.memory_space<semaphore_mem>>)
    %dma_wait3A_363 = arith.constant 1792 : i32
    %dma_wait3A_364 = tpu.memref_slice %arg5[%dma_wait3A_363] : memref<3328xi32, #tpu.memory_space<vmem>> -> memref<128xi32, #tpu.memory_space<vmem>>
    %dma_wait3A_365 = arith.constant 0 : i32
    %dma_wait3A_366 = arith.constant 0 : i32
    %dma_wait3A_367 = tpu.memref_slice %arg2[%dma_wait3A_365, %dma_wait3A_366] : memref<200000x64xf32, #tpu.memory_space<hbm>> -> memref<200000x64xf32, #tpu.memory_space<hbm>>
    tpu.wait_indirect_dma semaphore(%arg20 : memref<!tpu.dma_semaphore, #tpu.memory_space<semaphore_mem>>) src(%dma_wait3A_367 : memref<200000x64xf32, #tpu.memory_space<hbm>>) dst(%arg7 : memref<128x64xf32, #tpu.memory_space<vmem>>)
    %add3A_368 = arith.constant 1792 : i32
    %add3A_369 = arith.addi %mul3A_2, %add3A_368 : i32
    %dma_start3A_370 = arith.constant 0 : i32
    %dma_start3A_371 = tpu.memref_slice %arg4[%add3A_369, %dma_start3A_370] : memref<106496x64xf32, #tpu.memory_space<hbm>> -> memref<128x64xf32, #tpu.memory_space<hbm>>
    %dma_start3A_372 = arith.constant 0 : i32
    %dma_start3A_373 = tpu.memref_slice %arg4[%add3A_369, %dma_start3A_372] : memref<106496x64xf32, #tpu.memory_space<hbm>> -> memref<128x64xf32, #tpu.memory_space<hbm>>
    tpu.enqueue_dma source(%arg7 : memref<128x64xf32, #tpu.memory_space<vmem>>) target(%dma_start3A_373 : memref<128x64xf32, #tpu.memory_space<hbm>>) target_semaphore(%arg33 : memref<!tpu.dma_semaphore, #tpu.memory_space<semaphore_mem>>)
    %dma_wait3A_374 = arith.constant 1920 : i32
    %dma_wait3A_375 = tpu.memref_slice %arg5[%dma_wait3A_374] : memref<3328xi32, #tpu.memory_space<vmem>> -> memref<128xi32, #tpu.memory_space<vmem>>
    %dma_wait3A_376 = arith.constant 0 : i32
    %dma_wait3A_377 = arith.constant 0 : i32
    %dma_wait3A_378 = tpu.memref_slice %arg2[%dma_wait3A_376, %dma_wait3A_377] : memref<200000x64xf32, #tpu.memory_space<hbm>> -> memref<200000x64xf32, #tpu.memory_space<hbm>>
    tpu.wait_indirect_dma semaphore(%arg21 : memref<!tpu.dma_semaphore, #tpu.memory_space<semaphore_mem>>) src(%dma_wait3A_378 : memref<200000x64xf32, #tpu.memory_space<hbm>>) dst(%arg8 : memref<128x64xf32, #tpu.memory_space<vmem>>)
    %add3A_379 = arith.constant 1920 : i32
    %add3A_380 = arith.addi %mul3A_2, %add3A_379 : i32
    %dma_start3A_381 = arith.constant 0 : i32
    %dma_start3A_382 = tpu.memref_slice %arg4[%add3A_380, %dma_start3A_381] : memref<106496x64xf32, #tpu.memory_space<hbm>> -> memref<128x64xf32, #tpu.memory_space<hbm>>
    %dma_start3A_383 = arith.constant 0 : i32
    %dma_start3A_384 = tpu.memref_slice %arg4[%add3A_380, %dma_start3A_383] : memref<106496x64xf32, #tpu.memory_space<hbm>> -> memref<128x64xf32, #tpu.memory_space<hbm>>
    tpu.enqueue_dma source(%arg8 : memref<128x64xf32, #tpu.memory_space<vmem>>) target(%dma_start3A_384 : memref<128x64xf32, #tpu.memory_space<hbm>>) target_semaphore(%arg34 : memref<!tpu.dma_semaphore, #tpu.memory_space<semaphore_mem>>)
    %dma_wait3A_385 = arith.constant 2048 : i32
    %dma_wait3A_386 = tpu.memref_slice %arg5[%dma_wait3A_385] : memref<3328xi32, #tpu.memory_space<vmem>> -> memref<128xi32, #tpu.memory_space<vmem>>
    %dma_wait3A_387 = arith.constant 0 : i32
    %dma_wait3A_388 = arith.constant 0 : i32
    %dma_wait3A_389 = tpu.memref_slice %arg2[%dma_wait3A_387, %dma_wait3A_388] : memref<200000x64xf32, #tpu.memory_space<hbm>> -> memref<200000x64xf32, #tpu.memory_space<hbm>>
    tpu.wait_indirect_dma semaphore(%arg22 : memref<!tpu.dma_semaphore, #tpu.memory_space<semaphore_mem>>) src(%dma_wait3A_389 : memref<200000x64xf32, #tpu.memory_space<hbm>>) dst(%arg9 : memref<128x64xf32, #tpu.memory_space<vmem>>)
    %add3A_390 = arith.constant 2048 : i32
    %add3A_391 = arith.addi %mul3A_2, %add3A_390 : i32
    %dma_start3A_392 = arith.constant 0 : i32
    %dma_start3A_393 = tpu.memref_slice %arg4[%add3A_391, %dma_start3A_392] : memref<106496x64xf32, #tpu.memory_space<hbm>> -> memref<128x64xf32, #tpu.memory_space<hbm>>
    %dma_start3A_394 = arith.constant 0 : i32
    %dma_start3A_395 = tpu.memref_slice %arg4[%add3A_391, %dma_start3A_394] : memref<106496x64xf32, #tpu.memory_space<hbm>> -> memref<128x64xf32, #tpu.memory_space<hbm>>
    tpu.enqueue_dma source(%arg9 : memref<128x64xf32, #tpu.memory_space<vmem>>) target(%dma_start3A_395 : memref<128x64xf32, #tpu.memory_space<hbm>>) target_semaphore(%arg35 : memref<!tpu.dma_semaphore, #tpu.memory_space<semaphore_mem>>)
    %dma_wait3A_396 = arith.constant 2176 : i32
    %dma_wait3A_397 = tpu.memref_slice %arg5[%dma_wait3A_396] : memref<3328xi32, #tpu.memory_space<vmem>> -> memref<128xi32, #tpu.memory_space<vmem>>
    %dma_wait3A_398 = arith.constant 0 : i32
    %dma_wait3A_399 = arith.constant 0 : i32
    %dma_wait3A_400 = tpu.memref_slice %arg2[%dma_wait3A_398, %dma_wait3A_399] : memref<200000x64xf32, #tpu.memory_space<hbm>> -> memref<200000x64xf32, #tpu.memory_space<hbm>>
    tpu.wait_indirect_dma semaphore(%arg23 : memref<!tpu.dma_semaphore, #tpu.memory_space<semaphore_mem>>) src(%dma_wait3A_400 : memref<200000x64xf32, #tpu.memory_space<hbm>>) dst(%arg10 : memref<128x64xf32, #tpu.memory_space<vmem>>)
    %add3A_401 = arith.constant 2176 : i32
    %add3A_402 = arith.addi %mul3A_2, %add3A_401 : i32
    %dma_start3A_403 = arith.constant 0 : i32
    %dma_start3A_404 = tpu.memref_slice %arg4[%add3A_402, %dma_start3A_403] : memref<106496x64xf32, #tpu.memory_space<hbm>> -> memref<128x64xf32, #tpu.memory_space<hbm>>
    %dma_start3A_405 = arith.constant 0 : i32
    %dma_start3A_406 = tpu.memref_slice %arg4[%add3A_402, %dma_start3A_405] : memref<106496x64xf32, #tpu.memory_space<hbm>> -> memref<128x64xf32, #tpu.memory_space<hbm>>
    tpu.enqueue_dma source(%arg10 : memref<128x64xf32, #tpu.memory_space<vmem>>) target(%dma_start3A_406 : memref<128x64xf32, #tpu.memory_space<hbm>>) target_semaphore(%arg36 : memref<!tpu.dma_semaphore, #tpu.memory_space<semaphore_mem>>)
    %dma_wait3A_407 = arith.constant 2304 : i32
    %dma_wait3A_408 = tpu.memref_slice %arg5[%dma_wait3A_407] : memref<3328xi32, #tpu.memory_space<vmem>> -> memref<128xi32, #tpu.memory_space<vmem>>
    %dma_wait3A_409 = arith.constant 0 : i32
    %dma_wait3A_410 = arith.constant 0 : i32
    %dma_wait3A_411 = tpu.memref_slice %arg2[%dma_wait3A_409, %dma_wait3A_410] : memref<200000x64xf32, #tpu.memory_space<hbm>> -> memref<200000x64xf32, #tpu.memory_space<hbm>>
    tpu.wait_indirect_dma semaphore(%arg24 : memref<!tpu.dma_semaphore, #tpu.memory_space<semaphore_mem>>) src(%dma_wait3A_411 : memref<200000x64xf32, #tpu.memory_space<hbm>>) dst(%arg11 : memref<128x64xf32, #tpu.memory_space<vmem>>)
    %add3A_412 = arith.constant 2304 : i32
    %add3A_413 = arith.addi %mul3A_2, %add3A_412 : i32
    %dma_start3A_414 = arith.constant 0 : i32
    %dma_start3A_415 = tpu.memref_slice %arg4[%add3A_413, %dma_start3A_414] : memref<106496x64xf32, #tpu.memory_space<hbm>> -> memref<128x64xf32, #tpu.memory_space<hbm>>
    %dma_start3A_416 = arith.constant 0 : i32
    %dma_start3A_417 = tpu.memref_slice %arg4[%add3A_413, %dma_start3A_416] : memref<106496x64xf32, #tpu.memory_space<hbm>> -> memref<128x64xf32, #tpu.memory_space<hbm>>
    tpu.enqueue_dma source(%arg11 : memref<128x64xf32, #tpu.memory_space<vmem>>) target(%dma_start3A_417 : memref<128x64xf32, #tpu.memory_space<hbm>>) target_semaphore(%arg37 : memref<!tpu.dma_semaphore, #tpu.memory_space<semaphore_mem>>)
    %dma_wait3A_418 = arith.constant 2432 : i32
    %dma_wait3A_419 = tpu.memref_slice %arg5[%dma_wait3A_418] : memref<3328xi32, #tpu.memory_space<vmem>> -> memref<128xi32, #tpu.memory_space<vmem>>
    %dma_wait3A_420 = arith.constant 0 : i32
    %dma_wait3A_421 = arith.constant 0 : i32
    %dma_wait3A_422 = tpu.memref_slice %arg2[%dma_wait3A_420, %dma_wait3A_421] : memref<200000x64xf32, #tpu.memory_space<hbm>> -> memref<200000x64xf32, #tpu.memory_space<hbm>>
    tpu.wait_indirect_dma semaphore(%arg25 : memref<!tpu.dma_semaphore, #tpu.memory_space<semaphore_mem>>) src(%dma_wait3A_422 : memref<200000x64xf32, #tpu.memory_space<hbm>>) dst(%arg12 : memref<128x64xf32, #tpu.memory_space<vmem>>)
    %add3A_423 = arith.constant 2432 : i32
    %add3A_424 = arith.addi %mul3A_2, %add3A_423 : i32
    %dma_start3A_425 = arith.constant 0 : i32
    %dma_start3A_426 = tpu.memref_slice %arg4[%add3A_424, %dma_start3A_425] : memref<106496x64xf32, #tpu.memory_space<hbm>> -> memref<128x64xf32, #tpu.memory_space<hbm>>
    %dma_start3A_427 = arith.constant 0 : i32
    %dma_start3A_428 = tpu.memref_slice %arg4[%add3A_424, %dma_start3A_427] : memref<106496x64xf32, #tpu.memory_space<hbm>> -> memref<128x64xf32, #tpu.memory_space<hbm>>
    tpu.enqueue_dma source(%arg12 : memref<128x64xf32, #tpu.memory_space<vmem>>) target(%dma_start3A_428 : memref<128x64xf32, #tpu.memory_space<hbm>>) target_semaphore(%arg38 : memref<!tpu.dma_semaphore, #tpu.memory_space<semaphore_mem>>)
    %dma_wait3A_429 = arith.constant 2560 : i32
    %dma_wait3A_430 = tpu.memref_slice %arg5[%dma_wait3A_429] : memref<3328xi32, #tpu.memory_space<vmem>> -> memref<128xi32, #tpu.memory_space<vmem>>
    %dma_wait3A_431 = arith.constant 0 : i32
    %dma_wait3A_432 = arith.constant 0 : i32
    %dma_wait3A_433 = tpu.memref_slice %arg2[%dma_wait3A_431, %dma_wait3A_432] : memref<200000x64xf32, #tpu.memory_space<hbm>> -> memref<200000x64xf32, #tpu.memory_space<hbm>>
    tpu.wait_indirect_dma semaphore(%arg26 : memref<!tpu.dma_semaphore, #tpu.memory_space<semaphore_mem>>) src(%dma_wait3A_433 : memref<200000x64xf32, #tpu.memory_space<hbm>>) dst(%arg13 : memref<128x64xf32, #tpu.memory_space<vmem>>)
    %add3A_434 = arith.constant 2560 : i32
    %add3A_435 = arith.addi %mul3A_2, %add3A_434 : i32
    %dma_start3A_436 = arith.constant 0 : i32
    %dma_start3A_437 = tpu.memref_slice %arg4[%add3A_435, %dma_start3A_436] : memref<106496x64xf32, #tpu.memory_space<hbm>> -> memref<128x64xf32, #tpu.memory_space<hbm>>
    %dma_start3A_438 = arith.constant 0 : i32
    %dma_start3A_439 = tpu.memref_slice %arg4[%add3A_435, %dma_start3A_438] : memref<106496x64xf32, #tpu.memory_space<hbm>> -> memref<128x64xf32, #tpu.memory_space<hbm>>
    tpu.enqueue_dma source(%arg13 : memref<128x64xf32, #tpu.memory_space<vmem>>) target(%dma_start3A_439 : memref<128x64xf32, #tpu.memory_space<hbm>>) target_semaphore(%arg39 : memref<!tpu.dma_semaphore, #tpu.memory_space<semaphore_mem>>)
    %dma_wait3A_440 = arith.constant 2688 : i32
    %dma_wait3A_441 = tpu.memref_slice %arg5[%dma_wait3A_440] : memref<3328xi32, #tpu.memory_space<vmem>> -> memref<128xi32, #tpu.memory_space<vmem>>
    %dma_wait3A_442 = arith.constant 0 : i32
    %dma_wait3A_443 = arith.constant 0 : i32
    %dma_wait3A_444 = tpu.memref_slice %arg2[%dma_wait3A_442, %dma_wait3A_443] : memref<200000x64xf32, #tpu.memory_space<hbm>> -> memref<200000x64xf32, #tpu.memory_space<hbm>>
    tpu.wait_indirect_dma semaphore(%arg27 : memref<!tpu.dma_semaphore, #tpu.memory_space<semaphore_mem>>) src(%dma_wait3A_444 : memref<200000x64xf32, #tpu.memory_space<hbm>>) dst(%arg14 : memref<128x64xf32, #tpu.memory_space<vmem>>)
    %add3A_445 = arith.constant 2688 : i32
    %add3A_446 = arith.addi %mul3A_2, %add3A_445 : i32
    %dma_start3A_447 = arith.constant 0 : i32
    %dma_start3A_448 = tpu.memref_slice %arg4[%add3A_446, %dma_start3A_447] : memref<106496x64xf32, #tpu.memory_space<hbm>> -> memref<128x64xf32, #tpu.memory_space<hbm>>
    %dma_start3A_449 = arith.constant 0 : i32
    %dma_start3A_450 = tpu.memref_slice %arg4[%add3A_446, %dma_start3A_449] : memref<106496x64xf32, #tpu.memory_space<hbm>> -> memref<128x64xf32, #tpu.memory_space<hbm>>
    tpu.enqueue_dma source(%arg14 : memref<128x64xf32, #tpu.memory_space<vmem>>) target(%dma_start3A_450 : memref<128x64xf32, #tpu.memory_space<hbm>>) target_semaphore(%arg40 : memref<!tpu.dma_semaphore, #tpu.memory_space<semaphore_mem>>)
    %dma_wait3A_451 = arith.constant 2816 : i32
    %dma_wait3A_452 = tpu.memref_slice %arg5[%dma_wait3A_451] : memref<3328xi32, #tpu.memory_space<vmem>> -> memref<128xi32, #tpu.memory_space<vmem>>
    %dma_wait3A_453 = arith.constant 0 : i32
    %dma_wait3A_454 = arith.constant 0 : i32
    %dma_wait3A_455 = tpu.memref_slice %arg2[%dma_wait3A_453, %dma_wait3A_454] : memref<200000x64xf32, #tpu.memory_space<hbm>> -> memref<200000x64xf32, #tpu.memory_space<hbm>>
    tpu.wait_indirect_dma semaphore(%arg28 : memref<!tpu.dma_semaphore, #tpu.memory_space<semaphore_mem>>) src(%dma_wait3A_455 : memref<200000x64xf32, #tpu.memory_space<hbm>>) dst(%arg15 : memref<128x64xf32, #tpu.memory_space<vmem>>)
    %add3A_456 = arith.constant 2816 : i32
    %add3A_457 = arith.addi %mul3A_2, %add3A_456 : i32
    %dma_start3A_458 = arith.constant 0 : i32
    %dma_start3A_459 = tpu.memref_slice %arg4[%add3A_457, %dma_start3A_458] : memref<106496x64xf32, #tpu.memory_space<hbm>> -> memref<128x64xf32, #tpu.memory_space<hbm>>
    %dma_start3A_460 = arith.constant 0 : i32
    %dma_start3A_461 = tpu.memref_slice %arg4[%add3A_457, %dma_start3A_460] : memref<106496x64xf32, #tpu.memory_space<hbm>> -> memref<128x64xf32, #tpu.memory_space<hbm>>
    tpu.enqueue_dma source(%arg15 : memref<128x64xf32, #tpu.memory_space<vmem>>) target(%dma_start3A_461 : memref<128x64xf32, #tpu.memory_space<hbm>>) target_semaphore(%arg41 : memref<!tpu.dma_semaphore, #tpu.memory_space<semaphore_mem>>)
    %dma_wait3A_462 = arith.constant 2944 : i32
    %dma_wait3A_463 = tpu.memref_slice %arg5[%dma_wait3A_462] : memref<3328xi32, #tpu.memory_space<vmem>> -> memref<128xi32, #tpu.memory_space<vmem>>
    %dma_wait3A_464 = arith.constant 0 : i32
    %dma_wait3A_465 = arith.constant 0 : i32
    %dma_wait3A_466 = tpu.memref_slice %arg2[%dma_wait3A_464, %dma_wait3A_465] : memref<200000x64xf32, #tpu.memory_space<hbm>> -> memref<200000x64xf32, #tpu.memory_space<hbm>>
    tpu.wait_indirect_dma semaphore(%arg29 : memref<!tpu.dma_semaphore, #tpu.memory_space<semaphore_mem>>) src(%dma_wait3A_466 : memref<200000x64xf32, #tpu.memory_space<hbm>>) dst(%arg16 : memref<128x64xf32, #tpu.memory_space<vmem>>)
    %add3A_467 = arith.constant 2944 : i32
    %add3A_468 = arith.addi %mul3A_2, %add3A_467 : i32
    %dma_start3A_469 = arith.constant 0 : i32
    %dma_start3A_470 = tpu.memref_slice %arg4[%add3A_468, %dma_start3A_469] : memref<106496x64xf32, #tpu.memory_space<hbm>> -> memref<128x64xf32, #tpu.memory_space<hbm>>
    %dma_start3A_471 = arith.constant 0 : i32
    %dma_start3A_472 = tpu.memref_slice %arg4[%add3A_468, %dma_start3A_471] : memref<106496x64xf32, #tpu.memory_space<hbm>> -> memref<128x64xf32, #tpu.memory_space<hbm>>
    tpu.enqueue_dma source(%arg16 : memref<128x64xf32, #tpu.memory_space<vmem>>) target(%dma_start3A_472 : memref<128x64xf32, #tpu.memory_space<hbm>>) target_semaphore(%arg42 : memref<!tpu.dma_semaphore, #tpu.memory_space<semaphore_mem>>)
    %dma_wait3A_473 = arith.constant 3072 : i32
    %dma_wait3A_474 = tpu.memref_slice %arg5[%dma_wait3A_473] : memref<3328xi32, #tpu.memory_space<vmem>> -> memref<128xi32, #tpu.memory_space<vmem>>
    %dma_wait3A_475 = arith.constant 0 : i32
    %dma_wait3A_476 = arith.constant 0 : i32
    %dma_wait3A_477 = tpu.memref_slice %arg2[%dma_wait3A_475, %dma_wait3A_476] : memref<200000x64xf32, #tpu.memory_space<hbm>> -> memref<200000x64xf32, #tpu.memory_space<hbm>>
    tpu.wait_indirect_dma semaphore(%arg30 : memref<!tpu.dma_semaphore, #tpu.memory_space<semaphore_mem>>) src(%dma_wait3A_477 : memref<200000x64xf32, #tpu.memory_space<hbm>>) dst(%arg17 : memref<128x64xf32, #tpu.memory_space<vmem>>)
    %add3A_478 = arith.constant 3072 : i32
    %add3A_479 = arith.addi %mul3A_2, %add3A_478 : i32
    %dma_start3A_480 = arith.constant 0 : i32
    %dma_start3A_481 = tpu.memref_slice %arg4[%add3A_479, %dma_start3A_480] : memref<106496x64xf32, #tpu.memory_space<hbm>> -> memref<128x64xf32, #tpu.memory_space<hbm>>
    %dma_start3A_482 = arith.constant 0 : i32
    %dma_start3A_483 = tpu.memref_slice %arg4[%add3A_479, %dma_start3A_482] : memref<106496x64xf32, #tpu.memory_space<hbm>> -> memref<128x64xf32, #tpu.memory_space<hbm>>
    tpu.enqueue_dma source(%arg17 : memref<128x64xf32, #tpu.memory_space<vmem>>) target(%dma_start3A_483 : memref<128x64xf32, #tpu.memory_space<hbm>>) target_semaphore(%arg43 : memref<!tpu.dma_semaphore, #tpu.memory_space<semaphore_mem>>)
    %dma_wait3A_484 = arith.constant 3200 : i32
    %dma_wait3A_485 = tpu.memref_slice %arg5[%dma_wait3A_484] : memref<3328xi32, #tpu.memory_space<vmem>> -> memref<128xi32, #tpu.memory_space<vmem>>
    %dma_wait3A_486 = arith.constant 0 : i32
    %dma_wait3A_487 = arith.constant 0 : i32
    %dma_wait3A_488 = tpu.memref_slice %arg2[%dma_wait3A_486, %dma_wait3A_487] : memref<200000x64xf32, #tpu.memory_space<hbm>> -> memref<200000x64xf32, #tpu.memory_space<hbm>>
    tpu.wait_indirect_dma semaphore(%arg31 : memref<!tpu.dma_semaphore, #tpu.memory_space<semaphore_mem>>) src(%dma_wait3A_488 : memref<200000x64xf32, #tpu.memory_space<hbm>>) dst(%arg18 : memref<128x64xf32, #tpu.memory_space<vmem>>)
    %add3A_489 = arith.constant 3200 : i32
    %add3A_490 = arith.addi %mul3A_2, %add3A_489 : i32
    %dma_start3A_491 = arith.constant 0 : i32
    %dma_start3A_492 = tpu.memref_slice %arg4[%add3A_490, %dma_start3A_491] : memref<106496x64xf32, #tpu.memory_space<hbm>> -> memref<128x64xf32, #tpu.memory_space<hbm>>
    %dma_start3A_493 = arith.constant 0 : i32
    %dma_start3A_494 = tpu.memref_slice %arg4[%add3A_490, %dma_start3A_493] : memref<106496x64xf32, #tpu.memory_space<hbm>> -> memref<128x64xf32, #tpu.memory_space<hbm>>
    tpu.enqueue_dma source(%arg18 : memref<128x64xf32, #tpu.memory_space<vmem>>) target(%dma_start3A_494 : memref<128x64xf32, #tpu.memory_space<hbm>>) target_semaphore(%arg44 : memref<!tpu.dma_semaphore, #tpu.memory_space<semaphore_mem>>)
    %add3A_495 = arith.constant 1664 : i32
    %add3A_496 = arith.addi %mul3A_2, %add3A_495 : i32
    %dma_wait3A_497 = arith.constant 0 : i32
    %dma_wait3A_498 = tpu.memref_slice %arg4[%add3A_496, %dma_wait3A_497] : memref<106496x64xf32, #tpu.memory_space<hbm>> -> memref<128x64xf32, #tpu.memory_space<hbm>>
    %dma_wait3A_499 = arith.constant 0 : i32
    %dma_wait3A_500 = tpu.memref_slice %arg4[%add3A_496, %dma_wait3A_499] : memref<106496x64xf32, #tpu.memory_space<hbm>> -> memref<128x64xf32, #tpu.memory_space<hbm>>
    tpu.wait_dma2 semaphore(%arg32 : memref<!tpu.dma_semaphore, #tpu.memory_space<semaphore_mem>>) src(%arg6 : memref<128x64xf32, #tpu.memory_space<vmem>>) dst(%dma_wait3A_500 : memref<128x64xf32, #tpu.memory_space<hbm>>)
    %add3A_501 = arith.constant 1792 : i32
    %add3A_502 = arith.addi %mul3A_2, %add3A_501 : i32
    %dma_wait3A_503 = arith.constant 0 : i32
    %dma_wait3A_504 = tpu.memref_slice %arg4[%add3A_502, %dma_wait3A_503] : memref<106496x64xf32, #tpu.memory_space<hbm>> -> memref<128x64xf32, #tpu.memory_space<hbm>>
    %dma_wait3A_505 = arith.constant 0 : i32
    %dma_wait3A_506 = tpu.memref_slice %arg4[%add3A_502, %dma_wait3A_505] : memref<106496x64xf32, #tpu.memory_space<hbm>> -> memref<128x64xf32, #tpu.memory_space<hbm>>
    tpu.wait_dma2 semaphore(%arg33 : memref<!tpu.dma_semaphore, #tpu.memory_space<semaphore_mem>>) src(%arg7 : memref<128x64xf32, #tpu.memory_space<vmem>>) dst(%dma_wait3A_506 : memref<128x64xf32, #tpu.memory_space<hbm>>)
    %add3A_507 = arith.constant 1920 : i32
    %add3A_508 = arith.addi %mul3A_2, %add3A_507 : i32
    %dma_wait3A_509 = arith.constant 0 : i32
    %dma_wait3A_510 = tpu.memref_slice %arg4[%add3A_508, %dma_wait3A_509] : memref<106496x64xf32, #tpu.memory_space<hbm>> -> memref<128x64xf32, #tpu.memory_space<hbm>>
    %dma_wait3A_511 = arith.constant 0 : i32
    %dma_wait3A_512 = tpu.memref_slice %arg4[%add3A_508, %dma_wait3A_511] : memref<106496x64xf32, #tpu.memory_space<hbm>> -> memref<128x64xf32, #tpu.memory_space<hbm>>
    tpu.wait_dma2 semaphore(%arg34 : memref<!tpu.dma_semaphore, #tpu.memory_space<semaphore_mem>>) src(%arg8 : memref<128x64xf32, #tpu.memory_space<vmem>>) dst(%dma_wait3A_512 : memref<128x64xf32, #tpu.memory_space<hbm>>)
    %add3A_513 = arith.constant 2048 : i32
    %add3A_514 = arith.addi %mul3A_2, %add3A_513 : i32
    %dma_wait3A_515 = arith.constant 0 : i32
    %dma_wait3A_516 = tpu.memref_slice %arg4[%add3A_514, %dma_wait3A_515] : memref<106496x64xf32, #tpu.memory_space<hbm>> -> memref<128x64xf32, #tpu.memory_space<hbm>>
    %dma_wait3A_517 = arith.constant 0 : i32
    %dma_wait3A_518 = tpu.memref_slice %arg4[%add3A_514, %dma_wait3A_517] : memref<106496x64xf32, #tpu.memory_space<hbm>> -> memref<128x64xf32, #tpu.memory_space<hbm>>
    tpu.wait_dma2 semaphore(%arg35 : memref<!tpu.dma_semaphore, #tpu.memory_space<semaphore_mem>>) src(%arg9 : memref<128x64xf32, #tpu.memory_space<vmem>>) dst(%dma_wait3A_518 : memref<128x64xf32, #tpu.memory_space<hbm>>)
    %add3A_519 = arith.constant 2176 : i32
    %add3A_520 = arith.addi %mul3A_2, %add3A_519 : i32
    %dma_wait3A_521 = arith.constant 0 : i32
    %dma_wait3A_522 = tpu.memref_slice %arg4[%add3A_520, %dma_wait3A_521] : memref<106496x64xf32, #tpu.memory_space<hbm>> -> memref<128x64xf32, #tpu.memory_space<hbm>>
    %dma_wait3A_523 = arith.constant 0 : i32
    %dma_wait3A_524 = tpu.memref_slice %arg4[%add3A_520, %dma_wait3A_523] : memref<106496x64xf32, #tpu.memory_space<hbm>> -> memref<128x64xf32, #tpu.memory_space<hbm>>
    tpu.wait_dma2 semaphore(%arg36 : memref<!tpu.dma_semaphore, #tpu.memory_space<semaphore_mem>>) src(%arg10 : memref<128x64xf32, #tpu.memory_space<vmem>>) dst(%dma_wait3A_524 : memref<128x64xf32, #tpu.memory_space<hbm>>)
    %add3A_525 = arith.constant 2304 : i32
    %add3A_526 = arith.addi %mul3A_2, %add3A_525 : i32
    %dma_wait3A_527 = arith.constant 0 : i32
    %dma_wait3A_528 = tpu.memref_slice %arg4[%add3A_526, %dma_wait3A_527] : memref<106496x64xf32, #tpu.memory_space<hbm>> -> memref<128x64xf32, #tpu.memory_space<hbm>>
    %dma_wait3A_529 = arith.constant 0 : i32
    %dma_wait3A_530 = tpu.memref_slice %arg4[%add3A_526, %dma_wait3A_529] : memref<106496x64xf32, #tpu.memory_space<hbm>> -> memref<128x64xf32, #tpu.memory_space<hbm>>
    tpu.wait_dma2 semaphore(%arg37 : memref<!tpu.dma_semaphore, #tpu.memory_space<semaphore_mem>>) src(%arg11 : memref<128x64xf32, #tpu.memory_space<vmem>>) dst(%dma_wait3A_530 : memref<128x64xf32, #tpu.memory_space<hbm>>)
    %add3A_531 = arith.constant 2432 : i32
    %add3A_532 = arith.addi %mul3A_2, %add3A_531 : i32
    %dma_wait3A_533 = arith.constant 0 : i32
    %dma_wait3A_534 = tpu.memref_slice %arg4[%add3A_532, %dma_wait3A_533] : memref<106496x64xf32, #tpu.memory_space<hbm>> -> memref<128x64xf32, #tpu.memory_space<hbm>>
    %dma_wait3A_535 = arith.constant 0 : i32
    %dma_wait3A_536 = tpu.memref_slice %arg4[%add3A_532, %dma_wait3A_535] : memref<106496x64xf32, #tpu.memory_space<hbm>> -> memref<128x64xf32, #tpu.memory_space<hbm>>
    tpu.wait_dma2 semaphore(%arg38 : memref<!tpu.dma_semaphore, #tpu.memory_space<semaphore_mem>>) src(%arg12 : memref<128x64xf32, #tpu.memory_space<vmem>>) dst(%dma_wait3A_536 : memref<128x64xf32, #tpu.memory_space<hbm>>)
    %add3A_537 = arith.constant 2560 : i32
    %add3A_538 = arith.addi %mul3A_2, %add3A_537 : i32
    %dma_wait3A_539 = arith.constant 0 : i32
    %dma_wait3A_540 = tpu.memref_slice %arg4[%add3A_538, %dma_wait3A_539] : memref<106496x64xf32, #tpu.memory_space<hbm>> -> memref<128x64xf32, #tpu.memory_space<hbm>>
    %dma_wait3A_541 = arith.constant 0 : i32
    %dma_wait3A_542 = tpu.memref_slice %arg4[%add3A_538, %dma_wait3A_541] : memref<106496x64xf32, #tpu.memory_space<hbm>> -> memref<128x64xf32, #tpu.memory_space<hbm>>
    tpu.wait_dma2 semaphore(%arg39 : memref<!tpu.dma_semaphore, #tpu.memory_space<semaphore_mem>>) src(%arg13 : memref<128x64xf32, #tpu.memory_space<vmem>>) dst(%dma_wait3A_542 : memref<128x64xf32, #tpu.memory_space<hbm>>)
    %add3A_543 = arith.constant 2688 : i32
    %add3A_544 = arith.addi %mul3A_2, %add3A_543 : i32
    %dma_wait3A_545 = arith.constant 0 : i32
    %dma_wait3A_546 = tpu.memref_slice %arg4[%add3A_544, %dma_wait3A_545] : memref<106496x64xf32, #tpu.memory_space<hbm>> -> memref<128x64xf32, #tpu.memory_space<hbm>>
    %dma_wait3A_547 = arith.constant 0 : i32
    %dma_wait3A_548 = tpu.memref_slice %arg4[%add3A_544, %dma_wait3A_547] : memref<106496x64xf32, #tpu.memory_space<hbm>> -> memref<128x64xf32, #tpu.memory_space<hbm>>
    tpu.wait_dma2 semaphore(%arg40 : memref<!tpu.dma_semaphore, #tpu.memory_space<semaphore_mem>>) src(%arg14 : memref<128x64xf32, #tpu.memory_space<vmem>>) dst(%dma_wait3A_548 : memref<128x64xf32, #tpu.memory_space<hbm>>)
    %add3A_549 = arith.constant 2816 : i32
    %add3A_550 = arith.addi %mul3A_2, %add3A_549 : i32
    %dma_wait3A_551 = arith.constant 0 : i32
    %dma_wait3A_552 = tpu.memref_slice %arg4[%add3A_550, %dma_wait3A_551] : memref<106496x64xf32, #tpu.memory_space<hbm>> -> memref<128x64xf32, #tpu.memory_space<hbm>>
    %dma_wait3A_553 = arith.constant 0 : i32
    %dma_wait3A_554 = tpu.memref_slice %arg4[%add3A_550, %dma_wait3A_553] : memref<106496x64xf32, #tpu.memory_space<hbm>> -> memref<128x64xf32, #tpu.memory_space<hbm>>
    tpu.wait_dma2 semaphore(%arg41 : memref<!tpu.dma_semaphore, #tpu.memory_space<semaphore_mem>>) src(%arg15 : memref<128x64xf32, #tpu.memory_space<vmem>>) dst(%dma_wait3A_554 : memref<128x64xf32, #tpu.memory_space<hbm>>)
    %add3A_555 = arith.constant 2944 : i32
    %add3A_556 = arith.addi %mul3A_2, %add3A_555 : i32
    %dma_wait3A_557 = arith.constant 0 : i32
    %dma_wait3A_558 = tpu.memref_slice %arg4[%add3A_556, %dma_wait3A_557] : memref<106496x64xf32, #tpu.memory_space<hbm>> -> memref<128x64xf32, #tpu.memory_space<hbm>>
    %dma_wait3A_559 = arith.constant 0 : i32
    %dma_wait3A_560 = tpu.memref_slice %arg4[%add3A_556, %dma_wait3A_559] : memref<106496x64xf32, #tpu.memory_space<hbm>> -> memref<128x64xf32, #tpu.memory_space<hbm>>
    tpu.wait_dma2 semaphore(%arg42 : memref<!tpu.dma_semaphore, #tpu.memory_space<semaphore_mem>>) src(%arg16 : memref<128x64xf32, #tpu.memory_space<vmem>>) dst(%dma_wait3A_560 : memref<128x64xf32, #tpu.memory_space<hbm>>)
    %add3A_561 = arith.constant 3072 : i32
    %add3A_562 = arith.addi %mul3A_2, %add3A_561 : i32
    %dma_wait3A_563 = arith.constant 0 : i32
    %dma_wait3A_564 = tpu.memref_slice %arg4[%add3A_562, %dma_wait3A_563] : memref<106496x64xf32, #tpu.memory_space<hbm>> -> memref<128x64xf32, #tpu.memory_space<hbm>>
    %dma_wait3A_565 = arith.constant 0 : i32
    %dma_wait3A_566 = tpu.memref_slice %arg4[%add3A_562, %dma_wait3A_565] : memref<106496x64xf32, #tpu.memory_space<hbm>> -> memref<128x64xf32, #tpu.memory_space<hbm>>
    tpu.wait_dma2 semaphore(%arg43 : memref<!tpu.dma_semaphore, #tpu.memory_space<semaphore_mem>>) src(%arg17 : memref<128x64xf32, #tpu.memory_space<vmem>>) dst(%dma_wait3A_566 : memref<128x64xf32, #tpu.memory_space<hbm>>)
    %add3A_567 = arith.constant 3200 : i32
    %add3A_568 = arith.addi %mul3A_2, %add3A_567 : i32
    %dma_wait3A_569 = arith.constant 0 : i32
    %dma_wait3A_570 = tpu.memref_slice %arg4[%add3A_568, %dma_wait3A_569] : memref<106496x64xf32, #tpu.memory_space<hbm>> -> memref<128x64xf32, #tpu.memory_space<hbm>>
    %dma_wait3A_571 = arith.constant 0 : i32
    %dma_wait3A_572 = tpu.memref_slice %arg4[%add3A_568, %dma_wait3A_571] : memref<106496x64xf32, #tpu.memory_space<hbm>> -> memref<128x64xf32, #tpu.memory_space<hbm>>
    tpu.wait_dma2 semaphore(%arg44 : memref<!tpu.dma_semaphore, #tpu.memory_space<semaphore_mem>>) src(%arg18 : memref<128x64xf32, #tpu.memory_space<vmem>>) dst(%dma_wait3A_572 : memref<128x64xf32, #tpu.memory_space<hbm>>)
    return
  }
}

</mosaic_0001>

<sc_bundles>
// kernel: kernel.3.cloned.1.call-start
scs
__scs_entry_jumppad:
0x0: {  	(pc) =	sbr.rel $0x88, $3  }
0x1: {  	(tag) =	ssettag $0x0;
	lr =	simm.s32 $0x1  }
0x2: {  	[smem:$0x3F9F] =	sst lr;
	_ =	strace $0xD0000000  }
0x3: {  	_ = 	snop  }
0x4: {  	_ = 	snop  }
0x5: {  	_ = 	snop  }
0x6: {  	_ = 	snop  }
0x7: {  	_ = 	snop  }
__scs_overlays_trampoline_lowered:
0x8: {  	[smem:$0x3FAE] =	sst s0  }
0x9: {  	[smem:$0x3FAF] =	sst s1  }
0xa: {  	[smem:$0x3FB0] =	sst s2  }
0xb: {  	[smem:$0x3FB1] =	sst s3  }
0xc: {  	[smem:$0x3FB2] =	sst s4  }
0xd: {  	[smem:$0x3FB3] =	sst s5  }
0xe: {  	[smem:$0x3FB4] =	sst s6  }
0xf: {  	[smem:$0x3FB5] =	sst s7  }
0x10: {  	[smem:$0x3FB6] =	sst s8  }
0x11: {  	[smem:$0x3FB7] =	sst s9;
	s0 =	simm.s32 @!p0 $0x0  }
0x12: {  	s1 =	sld [smem:$0x3F9D];
	s0 =	simm.s32 @p0 $0x1  }
0x13: {  	[smem:$0x3FB8] =	sst s0;
	s0 =	simm.s32 @!p1 $0x0  }
0x14: {  	s2 =	sld [smem:$0x3F9C];
	s0 =	simm.s32 @p1 $0x1  }
0x15: {  	[smem:$0x3FB9] =	sst s0;
	s0 =	simm.s32 @!p2 $0x0  }
0x16: {  	s3 =	sld [smem:$0x3FDB];
	s0 =	simm.s32 @p2 $0x1  }
0x17: {  	s4 =	simm.s32 $0x1BF5;
	[smem:$0x3FBB] =	sst s0  }
0x18: {  	s0 =	sld [smem:$0x3F9E];
	_ =	swait.ge [sflag:s4], $0x0  }
0x19: {  	s7 =	sld [smem:$0x3F9F]  }
0x1a: {  	s8 =	sadd.s32 $0xFFFFE003, lr  }
0x1b: {  	s9 =	sadd.s32 $0xFFFFFEF7, lr;
	s5 =	simm.s32 $0xFFFFFFFF;
	p2 =	slt.u32 s8, $0xFFFFF086  }
0x1c: {  	p1 =	slt.u32 s9, $0xF7A;
	s5 =	simm.s32 @!p2 $0x0  }
0x1d: {  	s5 =	simm.s32 @p1 $0x1;
	p0 =	seq.s32 s7, s2  }
0x1e: {  	s7 =	smul.u32 @!p0 $0xF7A, s2;
	p2 =	seq.s32 @!p0 s5, $0x0  }
0x1f: {  	s9 =	smul.u32 $0xF7A, s1;
	s8 =	simm.s32 @!p0 $0x1BF5;
	p2 =	por !p2, p0  }
0x20: {  	[sflag:s8] =	ssyncset.s32 @!p0 $0xFFFFF086;
	s6 =	sadd.s32 @!p0 s3, s7;
	s7 =	simm.s32 @!p0 $0x108  }
0x21: {  	s3 =	sadd.s32 s3, s9;
	s6 =	sadd.s32 @!p0 $0x88, s6;
	s7 =	simm.s32 @p2 $0x1082  }
0x22: {  	[simem:s7], [sflag:s8] =	dma.local @!p0 [hbm:s6], $0xF7A  }
0x23: {  	s9 =	sor.u32 $0xD0000000, s2;
	s6 =	simm.s32 $0x108;
	_ =	swait.ge @!p0 [sflag:s8], $0x0  }
0x24: {  	s3 =	sadd.s32 $0x88, s3;
	s6 =	simm.s32 @!p1 $0x1082;
	[sflag:s4] =	ssyncset.s32 $0xFFFFF086  }
0x25: {  	[simem:s6], [sflag:s4] =	dma.local [hbm:s3], $0xF7A  }
0x26: {  	[smem:$0x3F9F] =	sst s1;
	(tag) =	ssettag s2;
	_ =	strace s9  }
0x27: {  	s1 =	sld [smem:$0x3FAF]  }
0x28: {  	s2 =	sld [smem:$0x3FB0]  }
0x29: {  	s4 =	sld [smem:$0x3FB2]  }
0x2a: {  	p0 =	seq.s32 s5, $0x0;
	s5 =	sld [smem:$0x3FB3]  }
0x2b: {  	s6 =	sld [smem:$0x3FB4]  }
0x2c: {  	s7 =	sld [smem:$0x3FB5]  }
0x2d: {  	s3 =	simm.s32 $0x108;
	s8 =	sld [smem:$0x3FB6]  }
0x2e: {  	s3 =	simm.s32 @!p0 $0x1082;
	s9 =	sld [smem:$0x3FB7]  }
0x2f: {  	lr =	sadd.s32 s0, s3;
	s0 =	sld [smem:$0x3FAE]  }
0x30: {  	s3 =	sld [smem:$0x3FB1]  }
0x31: {  	[smem:$0x3FBA] =	sst s10  }
0x32: {  	s10 =	sld [smem:$0x3FB8];
	_ =	sdelay $0x3  }
0x33: {  	p0 =	seq.s32 s10, $0x1;
	s10 =	sld [smem:$0x3FBA];
	_ =	sdelay $0x3  }
0x34: {  	[smem:$0x3FBA] =	sst s10  }
0x35: {  	s10 =	sld [smem:$0x3FB9];
	_ =	sdelay $0x3  }
0x36: {  	p1 =	seq.s32 s10, $0x1;
	s10 =	sld [smem:$0x3FBA];
	_ =	sdelay $0x3  }
0x37: {  	[smem:$0x3FBA] =	sst s10  }
0x38: {  	s10 =	sld [smem:$0x3FBB]  }
0x39: {  	_ = 	snop;
	(pc) =	sbr.ind lr, $3  }
0x3a: {  	_ = 	snop  }
0x3b: {  	_ = 	snop  }
0x3c: {  	p2 =	seq.s32 s10, $0x1;
	s10 =	sld [smem:$0x3FBA]  }
0x3d: {  	_ =	shalt  }
0x3e: {  	_ =	shalt  }
0x3f: {  	_ =	shalt  }
0x40: {  	_ =	shalt  }
0x41: {  	_ =	shalt  }
0x42: {  	_ =	shalt  }
0x43: {  	_ =	shalt  }
0x44: {  	_ =	shalt  }
0x45: {  	_ =	shalt  }
0x46: {  	_ =	shalt  }
0x47: {  	_ =	shalt  }
0x48: {  	_ =	shalt  }
0x49: {  	_ =	shalt  }
0x4a: {  	_ =	shalt  }
0x4b: {  	_ =	shalt  }
0x4c: {  	_ =	shalt  }
0x4d: {  	_ =	shalt  }
0x4e: {  	_ =	shalt  }
0x4f: {  	_ =	shalt  }
0x50: {  	_ =	shalt  }
0x51: {  	_ =	shalt  }
0x52: {  	_ =	shalt  }
0x53: {  	_ =	shalt  }
0x54: {  	_ =	shalt  }
0x55: {  	_ =	shalt  }
0x56: {  	_ =	shalt  }
0x57: {  	_ =	shalt  }
0x58: {  	_ =	shalt  }
0x59: {  	_ =	shalt  }
0x5a: {  	_ =	shalt  }
0x5b: {  	_ =	shalt  }
0x5c: {  	_ =	shalt  }
0x5d: {  	_ =	shalt  }
0x5e: {  	_ =	shalt  }
0x5f: {  	_ =	shalt  }
0x60: {  	_ =	shalt  }
0x61: {  	_ =	shalt  }
0x62: {  	_ =	shalt  }
0x63: {  	_ =	shalt  }
0x64: {  	_ =	shalt  }
0x65: {  	_ =	shalt  }
0x66: {  	_ =	shalt  }
0x67: {  	_ =	shalt  }
0x68: {  	_ =	shalt  }
0x69: {  	_ =	shalt  }
0x6a: {  	_ =	shalt  }
0x6b: {  	_ =	shalt  }
0x6c: {  	_ =	shalt  }
0x6d: {  	_ =	shalt  }
0x6e: {  	_ =	shalt  }
0x6f: {  	_ =	shalt  }
0x70: {  	_ =	shalt  }
0x71: {  	_ =	shalt  }
0x72: {  	_ =	shalt  }
0x73: {  	_ =	shalt  }
0x74: {  	_ =	shalt  }
0x75: {  	_ =	shalt  }
0x76: {  	_ =	shalt  }
0x77: {  	_ =	shalt  }
0x78: {  	_ =	shalt  }
0x79: {  	_ =	shalt  }
0x7a: {  	_ =	shalt  }
0x7b: {  	_ =	shalt  }
0x7c: {  	_ =	shalt  }
0x7d: {  	_ =	shalt  }
0x7e: {  	_ =	shalt  }
0x7f: {  	_ =	shalt  }
0x80: {  	_ =	shalt  }
0x81: {  	_ =	shalt  }
0x82: {  	_ =	shalt  }
0x83: {  	_ =	shalt  }
0x84: {  	_ =	shalt  }
0x85: {  	_ =	shalt  }
0x86: {  	_ =	shalt  }
0x87: {  	_ =	shalt  }
.Lfunc_end0:
.L_simem_size_0:
called_computation_lowered:
.L_overlay_start_0:
0x88: {  	s2 =	sld [smem:$0x3FD9]  }
0x89: {  	s3 =	sld [smem:$0x3FFE];
	_ =	sdelay $0x1  }
0x8a: {  	s1 =	srdreg.scid  }
0x8b: {  	s0 =	sand.u32 $0x1, s1  }
0x8c: {  	s17 =	sshll.u32 s0, $0xA;
	s2 =	sadd.s32 s3, s2  }
0x8d: {  	s2 =	sadd.s32 s2, s17  }
0x8e: {  	[smem:$0x3FC6] =	sst s2  }
0x8f: {  	_ = 	snop  }
0x90: {  	s2 =	sld [smem:$0x3FD0];
	(tm) =	ssettm $0x1  }
0x91: {  	s18 =	sld [smem:$0x3FFB];
	_ =	sdelay $0x3  }
0x92: {  	_ =	strace s18  }
0x93: {  	s3 =	sld [smem:$0x3FFC];
	_ =	sdelay $0x3  }
0x94: {  	_ =	strace s3  }
0x95: {  	s3 =	sld [smem:$0x3FFD];
	_ =	sdelay $0x3  }
0x96: {  	_ =	strace s3  }
0x97: {  	_ =	strace $0x8FFFFFFF  }
0x98: {  	s19 =	sld [smem:$0x3FDB];
	_ =	sdelay $0x1  }
0x99: {  	s4 =	simm.s32 $_scs_section_size  }
0x9a: {  	s5 =	simm.s32 $_size__tile_overlayer_lowered;
	s6 =	simm.s32 $_tile_overlayer_lowered  }
0x9b: {  	s22 =	simm.s32 $0x1BFF;
	s21 =	sshll.u32 s6, $0x1;
	s3 =	sadd.s32 s4, s19  }
0x9c: {  	s7 =	simm.s32 $0x0;
	s20 =	sshll.u32 s5, $0x1;
	s5 =	sadd.s32 s21, s3  }
0x9d: {  	[timem:s7], [sflag:s22] =	dma.local [hbm:s5], s20  }
0x9e: {  	_ =	swait.ge [sflag:s22], s20  }
0x9f: {  	s4 =	ssub.s32 $0x0, s20;
	[sflag:s22] =	ssyncset.done $0x0  }
0xa0: {  	[sflag:s22] =	ssyncadd.s32 s4;
	_ =	sdelay $0x1  }
0xa1: {  	s23 =	simm.s32 $0x1B8B  }
0xa2: {  	_ =	swait.ge [sflag:s23], $0x1  }
0xa3: {  	[sflag:s23] =	ssyncset.done $0x0  }
0xa4: {  	s25 =	simm.s32 $0x1B8E;
	s24 =	sld [smem:$0x3FFE];
	[sflag:s23] =	ssyncadd.s32 $0xFFFFFFFF  }
0xa5: {  	s26 =	simm.s32 $execute0_lowered;
	[smem:$0x3FD2] =	sst s25  }
0xa6: {  	s5 =	sshll.u32 s26, $0x1;
	_ =	strace $0x80000046;
	[dreg:$0x1] =	wrdreg $0xFFFFFFFF  }
0xa7: {  	s28 =	simm.s32 $_size_execute0_lowered;
	s3 =	sadd.s32 s3, s5;
	[dreg:$0x0] =	wrdreg $0x0  }
0xa8: {  	s5 =	sshll.u32 s28, $0x1;
	[dreg:$0x2] =	wrdreg s3  }
0xa9: {  	[dreg:$0x3] =	wrdreg s5  }
0xaa: {  	[dreg:$0x4] =	wrdreg $0xC0  }
0xab: {  	_ =	task [dreg:s7], $0x5FFFF  }
0xac: {  	[dreg:$0x1] =	wrdreg $0xFFFFFFFF  }
0xad: {  	[dreg:$0x0] =	wrdreg $0x60  }
0xae: {  	[dreg:$0x2] =	wrdreg s24  }
0xaf: {  	[dreg:$0x3] =	wrdreg s2  }
0xb0: {  	[dreg:$0x4] =	wrdreg $0x9  }
0xb1: {  	_ =	task.clear_ibuf [dreg:s7], $0x5FFFF;
	_ =	strace $0x90000046  }
0xb2: {  	s29 =	simm.s32 $0x9;
	_ =	strace $0x80000048  }
0xb3: {  	_ =	swait.ge [sflag:s29], $0x1  }
0xb4: {  	[sflag:s29] =	ssyncadd.s32 $0xFFFFFFFF  }
0xb5: {  	_ =	strace $0x90000048  }
0xb6: {  	_ =	sfence  }
0xb7: {  	s30 =	sld [smem:$0x0];
	_ =	sdelay $0x2  }
0xb8: {  	s31 =	sshll.u32 s1, $0xD;
	s1 =	sshrl.u32 s1, $0x2  }
0xb9: {  	s3 =	sand.u32 $0x4000, s31;
	s1 =	sadd.s32 s1, s30  }
0xba: {  	s0 =	sor.u32 s3, s0;
	s1 =	sshll.u32 s1, $0x11  }
0xbb: {  	s0 =	sor.u32 s1, s0  }
0xbc: {  	s0 =	sadd.s32 $0x8F2B, s0  }
0xbd: {  	[sflag:s0] =	ssyncadd.remote.s32 $0x1  }
0xbe: {  	_ =	sfence.sel $0xFFFF  }
0xbf: {  	[dreg:$0x0] =	wrdreg $0xFFFFFFFF;
	(pc) =	sbr.abs _section_cstart, $3  }
0xc0: {  	[dreg:$0x1] =	wrdreg $0xFFFFFFFF  }
0xc1: {  	_ =	task.clear_ibuf [dreg:s7], $0x2FFFF;
	_ =	strace $0x9FFFFFFF  }
0xc2: {  	(tm) =	ssettm $0x7FFFFFFF  }
0xc3: {  	_ =	shalt  }
tec
execute0_lowered:
.L_overlay_start_1:
0x0: {  	(tag) =	ssettag $0x1  }
0x1: {  	s0 =	srdreg.scid;
	s1 =	stileid.u32  }
0x2: {  	s0 =	sand.u32 $0x1, s0;
	s2 =	sshll.u32 s1, $0x1  }
0x3: {  	s3 =	sor.u32 s0, s2  }
0x4: {  	s4 =	rddreg [dreg:$0x1];
	s5 =	smul.u32 $0x1A0, s3  }
0x5: {  	s28 =	simm.s32 $0x0;
	s1 =	rddreg [dreg:$0x0];
	s6 =	smul.u32 $0x6800, s3  }
0x6: {  	[smem:$0x7FF] =	sst s28;
	s3 =	smul.u32 $0x34000, s3  }
0x7: {  	_ =	strace $0x80000047;
	s5 =	sadd.s32 s5, s1;
	s6 =	sadd.s32 s4, s6  }
0x8: {  	s3 =	sshrl.u32 s3, $0x3;
	s5 =	sadd.s32 $0x187000, s5;
	[smem:$0x7E8] =	sst s6  }
0x9: {  	s20 =	sadd.s32 $0x400, s6;
	s3 =	sadd.s32 s4, s3;
	[dreg:$0x3] =	wrdreg s5  }
0xa: {  	[dreg:$0x4] =	wrdreg s20;
	s4 =	sadd.s32 $0x800, s3  }
0xb: {  	s21 =	sadd.s32 $0xC00, s3;
	[dreg:$0x5] =	wrdreg s4  }
0xc: {  	s22 =	sadd.s32 $0x1000, s3;
	[dreg:$0x6] =	wrdreg s21  }
0xd: {  	s23 =	sadd.s32 $0x1400, s3;
	[dreg:$0x7] =	wrdreg s22  }
0xe: {  	s24 =	sadd.s32 $0x1800, s3;
	[dreg:$0x8] =	wrdreg s23  }
0xf: {  	s25 =	sadd.s32 $0x1C00, s3;
	[dreg:$0x9] =	wrdreg s24  }
0x10: {  	s26 =	sadd.s32 $0x2000, s3;
	[dreg:$0xa] =	wrdreg s25  }
0x11: {  	s2 =	sadd.s32 $0x2400, s3;
	[dreg:$0xb] =	wrdreg s26  }
0x12: {  	s5 =	sadd.s32 $0x2800, s3;
	[dreg:$0xc] =	wrdreg s2  }
0x13: {  	s6 =	sadd.s32 $0x2C00, s3;
	[dreg:$0xd] =	wrdreg s5  }
0x14: {  	s7 =	sadd.s32 $0x3000, s3;
	[dreg:$0xe] =	wrdreg s6  }
0x15: {  	s8 =	sadd.s32 $0x3400, s3;
	[dreg:$0xf] =	wrdreg s7  }
0x16: {  	s9 =	sadd.s32 $0x3800, s3;
	[dreg:$0x10] =	wrdreg s8  }
0x17: {  	s10 =	sadd.s32 $0x3C00, s3;
	[dreg:$0x11] =	wrdreg s9  }
0x18: {  	s11 =	sadd.s32 $0x4000, s3;
	[dreg:$0x12] =	wrdreg s10  }
0x19: {  	s12 =	sadd.s32 $0x4400, s3;
	[dreg:$0x13] =	wrdreg s11  }
0x1a: {  	s13 =	sadd.s32 $0x4800, s3;
	[dreg:$0x14] =	wrdreg s12  }
0x1b: {  	s14 =	sadd.s32 $0x4C00, s3;
	[dreg:$0x15] =	wrdreg s13  }
0x1c: {  	s15 =	sadd.s32 $0x5000, s3;
	[dreg:$0x16] =	wrdreg s14  }
0x1d: {  	s16 =	sadd.s32 $0x5400, s3;
	[dreg:$0x17] =	wrdreg s15  }
0x1e: {  	s17 =	sadd.s32 $0x5800, s3;
	[dreg:$0x18] =	wrdreg s16  }
0x1f: {  	s18 =	sadd.s32 $0x5C00, s3;
	[dreg:$0x19] =	wrdreg s17  }
0x20: {  	s19 =	sadd.s32 $0x6000, s3;
	[dreg:$0x1a] =	wrdreg s18  }
0x21: {  	s3 =	sadd.s32 $0x6400, s3;
	[dreg:$0x1b] =	wrdreg s19  }
0x22: {  	s20 =	simm.s32 $0x100;
	[dreg:$0x1c] =	wrdreg s3  }
0x23: {  	[dreg:$0x1d] =	wrdreg s20  }
0x24: {  	s21 =	simm.s32 $0x180;
	s29 =	rddreg [dreg:$0x3]  }
0x25: {  	s23 =	simm.s32 $0x200;
	[dreg:$0x1e] =	wrdreg s21  }
0x26: {  	s24 =	simm.s32 $0x280;
	[dreg:$0x1f] =	wrdreg s23  }
0x27: {  	s25 =	simm.s32 $0x300;
	[smem:$0x7E9] =	sst s24  }
0x28: {  	s31 =	simm.s32 $0x80;
	s2 =	simm.s32 $0x380;
	[smem:$0x7EA] =	sst s25  }
0x29: {  	p0 =	por $0x0, $0x0;
	s3 =	simm.s32 $0x400;
	[smem:$0x7EB] =	sst s2  }
0x2a: {  	s30 =	simm.s32 $0x13;
	s4 =	simm.s32 $0x480;
	[smem:$0x7EC] =	sst s3  }
0x2b: {  	s0 =	ssub.s32 $0x2, s0;
	s5 =	simm.s32 $0x500;
	[smem:$0x7ED] =	sst s4  }
0x2c: {  	s11 =	sadd.s32 $0x18A400, s1;
	s6 =	simm.s32 $0x580;
	[smem:$0x7EE] =	sst s5  }
0x2d: {  	s22 =	sshrl.u32 s0, $0x1;
	s7 =	simm.s32 $0x600;
	[smem:$0x7EF] =	sst s6  }
0x2e: {  	s26 =	simm.s32 $0x1B;
	s8 =	simm.s32 $0x680;
	[smem:$0x7F0] =	sst s7  }
0x2f: {  	s18 =	simm.s32 $0x2D00;
	s10 =	simm.s32 $0x700;
	[smem:$0x7F1] =	sst s8  }
0x30: {  	s14 =	simm.s32 $0x4D00;
	s12 =	simm.s32 $0x780;
	[smem:$0x7F2] =	sst s10  }
0x31: {  	s9 =	simm.s32 $0x8D00;
	s13 =	simm.s32 $0x800;
	[smem:$0x7F3] =	sst s12  }
0x32: {  	s15 =	simm.s32 $0x880;
	s16 =	simm.s32 $0x900;
	[smem:$0x7F4] =	sst s13  }
0x33: {  	s17 =	simm.s32 $0x980;
	s19 =	simm.s32 $0xA00;
	[smem:$0x7F5] =	sst s15  }
0x34: {  	s20 =	simm.s32 $0xA80;
	s0 =	ssub.s32 s0, s22;
	[smem:$0x7F6] =	sst s16  }
0x35: {  	s22 =	simm.s32 $0xD00;
	s3 =	simm.s32 $0x6D00;
	[smem:$0x7F7] =	sst s17  }
0x36: {  	s2 =	simm.s32 $0xAD00;
	s13 =	simm.s32 $0x16D00;
	[smem:$0x7F8] =	sst s19  }
0x37: {  	s4 =	simm.s32 $0x18D00;
	[smem:$0x7F9] =	sst s20;
	s21 =	simm.s32 $0xB00  }
0x38: {  	s23 =	simm.s32 $0xB80;
	s24 =	simm.s32 $0xC00;
	s0 =	smax.u32 s0, $0x1  }
0x39: {  	s25 =	simm.s32 $0xC80;
	s5 =	simm.s32 $0xD;
	p1 =	sne.s32 s0, $0x1  }
.Ltmp0:
0x3a: {  	s20 =	simm.s32 $0xF;
	[smem:$0x7FA] =	sst s21;
	(pc) =	sbr.rel @!p1 .LBB2_1-.Ltmp0, $4  }
0x3b: {  	s10 =	simm.s32 $0x10;
	s12 =	simm.s32 $0x11;
	[smem:$0x7FB] =	sst s23  }
0x3c: {  	s7 =	simm.s32 $0x12;
	s19 =	simm.s32 $0x17;
	[smem:$0x7FC] =	sst s24  }
0x3d: {  	s15 =	simm.s32 $0x18;
	s6 =	simm.s32 $0x1A;
	[smem:$0x7FD] =	sst s25  }
0x3e: {  	s24 =	simm.s32 $0xE;
	s23 =	simm.s32 $0x16;
	s1 =	sadd.s32 $0xFFFFFFFF, s0  }
0x3f: {  	[tilespmem:s28], [sflag:$0x1B] =	stream.linear.gather [hbm4b:s29+s28], $0xD00, $0x38;
	[tilespmem:$0x1AD00] =	vst v63  }
0x40: {  	_ =	swait.ge [sflag:s26], $0xD00  }
0x41: {  	[sflag:s26] =	ssyncset.done $0x0  }
0x42: {  	[sflag:s26] =	ssyncadd.s32 $0xFFFFF300  }
0x43: {  	[tilespmem:s22], [sflag:$0x1] =	stream.indirect.gather [hbm4b:s11+s31], $0x40, s28, s31, $0xb8;
	[tilespmem:$0x1AD00] =	vst v63  }
0x44: {  	s29 =	rddreg [dreg:$0x1d]  }
0x45: {  	[tilespmem:s18], [sflag:$0x2] =	stream.indirect.gather [hbm4b:s11+s31], $0x40, s31, s31, $0xb8;
	[tilespmem:$0x1AD00] =	vst v63  }
0x46: {  	s25 =	rddreg [dreg:$0x1e]  }
0x47: {  	[tilespmem:s14], [sflag:$0x3] =	stream.indirect.gather [hbm4b:s11+s31], $0x40, s29, s31, $0xb8;
	[tilespmem:$0x1AD00] =	vst v63  }
0x48: {  	s0 =	sld [smem:$0x7E9]  }
0x49: {  	[tilespmem:s3], [sflag:$0x4] =	stream.indirect.gather [hbm4b:s11+s31], $0x40, s25, s31, $0xb8;
	[tilespmem:$0x1AD00] =	vst v63  }
0x4a: {  	s29 =	rddreg [dreg:$0x1f]  }
0x4b: {  	[tilespmem:s9], [sflag:$0x5] =	stream.indirect.gather [hbm4b:s11+s31], $0x40, s29, s31, $0xb8;
	[tilespmem:$0x1AD00] =	vst v63  }
0x4c: {  	s29 =	sld [smem:$0x7EA]  }
0x4d: {  	[tilespmem:s2], [sflag:$0x6] =	stream.indirect.gather [hbm4b:s11+s31], $0x40, s0, s31, $0xb8;
	[tilespmem:$0x1AD00] =	vst v63  }
0x4e: {  	s2 =	sld [smem:$0x7EB];
	s0 =	simm.s32 $0xCD00  }
0x4f: {  	[tilespmem:s0], [sflag:$0x7] =	stream.indirect.gather [hbm4b:s11+s31], $0x40, s29, s31, $0xb8;
	[tilespmem:$0x1AD00] =	vst v63  }
0x50: {  	s8 =	simm.s32 $0xED00;
	s29 =	sld [smem:$0x7EC]  }
0x51: {  	[tilespmem:s8], [sflag:$0x8] =	stream.indirect.gather [hbm4b:s11+s31], $0x40, s2, s31, $0xb8;
	[tilespmem:$0x1AD00] =	vst v63  }
0x52: {  	s16 =	simm.s32 $0x10D00;
	s13 =	sld [smem:$0x7ED]  }
0x53: {  	[tilespmem:s16], [sflag:$0x9] =	stream.indirect.gather [hbm4b:s11+s31], $0x40, s29, s31, $0xb8;
	[tilespmem:$0x1AD00] =	vst v63  }
0x54: {  	s21 =	simm.s32 $0x12D00;
	s29 =	sld [smem:$0x7EE]  }
0x55: {  	[tilespmem:s21], [sflag:$0xA] =	stream.indirect.gather [hbm4b:s11+s31], $0x40, s13, s31, $0xb8;
	[tilespmem:$0x1AD00] =	vst v63  }
0x56: {  	s25 =	sld [smem:$0x7EF];
	s13 =	simm.s32 $0x14D00  }
0x57: {  	[tilespmem:s13], [sflag:$0xB] =	stream.indirect.gather [hbm4b:s11+s31], $0x40, s29, s31, $0xb8;
	[tilespmem:$0x1AD00] =	vst v63  }
0x58: {  	s16 =	simm.s32 $0x16D00;
	s29 =	sld [smem:$0x7F0]  }
0x59: {  	[tilespmem:s16], [sflag:$0xC] =	stream.indirect.gather [hbm4b:s11+s31], $0x40, s25, s31, $0xb8;
	[tilespmem:$0x1AD00] =	vst v63  }
0x5a: {  	_ = 	snop  }
0x5b: {  	[tilespmem:s4], [sflag:$0xD] =	stream.indirect.gather [hbm4b:s11+s31], $0x40, s29, s31, $0xb8;
	[tilespmem:$0x1AD00] =	vst v63  }
0x5c: {  	s29 =	simm.s32 $0x1  }
0x5d: {  	_ =	swait.ge [sflag:s29], $0x2000  }
0x5e: {  	s21 =	sld [smem:$0x7E8]  }
0x5f: {  	[sflag:s29] =	ssyncset.done $0x0  }
0x60: {  	s16 =	simm.s32 $0x2;
	[sflag:s29] =	ssyncadd.s32 $0xFFFFE000  }
0x61: {  	[hbm4b:s21+s28] =	stream.linear.scatter [tilespmem:s22], [sflag:$0xE], $0x2000, $0x38;
	[tilespmem:$0x1AD00] =	vst v63  }
0x62: {  	_ =	swait.ge [sflag:s16], $0x2000  }
0x63: {  	[sflag:s16] =	ssyncset.done $0x0  }
0x64: {  	s4 =	simm.s32 $0x3;
	s25 =	rddreg [dreg:$0x4];
	[sflag:s16] =	ssyncadd.s32 $0xFFFFE000  }
0x65: {  	[hbm4b:s25+s28] =	stream.linear.scatter [tilespmem:s18], [sflag:$0xF], $0x2000, $0x38;
	[tilespmem:$0x1AD00] =	vst v63  }
0x66: {  	_ =	swait.ge [sflag:s4], $0x2000  }
0x67: {  	[sflag:s4] =	ssyncset.done $0x0  }
0x68: {  	s0 =	rddreg [dreg:$0x5];
	[sflag:s4] =	ssyncadd.s32 $0xFFFFE000  }
0x69: {  	[hbm4b:s0+s28] =	stream.linear.scatter [tilespmem:s14], [sflag:$0x10], $0x2000, $0x38;
	[tilespmem:$0x1AD00] =	vst v63  }
0x6a: {  	[smem:$0x7E7] =	sst s1;
	s0 =	simm.s32 $0x4  }
0x6b: {  	_ =	swait.ge [sflag:s0], $0x2000  }
0x6c: {  	[sflag:s0] =	ssyncset.done $0x0  }
0x6d: {  	s26 =	simm.s32 $0x5;
	s13 =	rddreg [dreg:$0x6];
	[sflag:s0] =	ssyncadd.s32 $0xFFFFE000  }
0x6e: {  	[hbm4b:s13+s28] =	stream.linear.scatter [tilespmem:s3], [sflag:$0x11], $0x2000, $0x38;
	[tilespmem:$0x1AD00] =	vst v63  }
0x6f: {  	_ =	swait.ge [sflag:s26], $0x2000  }
0x70: {  	[sflag:s26] =	ssyncset.done $0x0  }
0x71: {  	s1 =	rddreg [dreg:$0x7];
	[sflag:s26] =	ssyncadd.s32 $0xFFFFE000;
	s26 =	simm.s32 $0x6  }
0x72: {  	[hbm4b:s1+s28] =	stream.linear.scatter [tilespmem:s9], [sflag:$0x12], $0x2000, $0x38;
	[tilespmem:$0x1AD00] =	vst v63  }
0x73: {  	_ =	swait.ge [sflag:s26], $0x2000  }
0x74: {  	s25 =	simm.s32 $0xAD00;
	[sflag:s26] =	ssyncset.done $0x0  }
0x75: {  	s1 =	rddreg [dreg:$0x8];
	[sflag:s26] =	ssyncadd.s32 $0xFFFFE000;
	s26 =	simm.s32 $0x7  }
0x76: {  	[hbm4b:s1+s28] =	stream.linear.scatter [tilespmem:s25], [sflag:$0x13], $0x2000, $0x38;
	[tilespmem:$0x1AD00] =	vst v63  }
0x77: {  	_ =	swait.ge [sflag:s26], $0x2000  }
0x78: {  	s17 =	simm.s32 $0xCD00;
	[sflag:s26] =	ssyncset.done $0x0  }
0x79: {  	s1 =	rddreg [dreg:$0x9];
	[sflag:s26] =	ssyncadd.s32 $0xFFFFE000;
	s26 =	simm.s32 $0x8  }
0x7a: {  	[hbm4b:s1+s28] =	stream.linear.scatter [tilespmem:s17], [sflag:$0x14], $0x2000, $0x38;
	[tilespmem:$0x1AD00] =	vst v63  }
0x7b: {  	_ =	swait.ge [sflag:s26], $0x2000  }
0x7c: {  	s2 =	simm.s32 $0xED00;
	[sflag:s26] =	ssyncset.done $0x0  }
0x7d: {  	s3 =	simm.s32 $0x9;
	s1 =	rddreg [dreg:$0xa];
	[sflag:s26] =	ssyncadd.s32 $0xFFFFE000  }
0x7e: {  	[hbm4b:s1+s28] =	stream.linear.scatter [tilespmem:s2], [sflag:$0x15], $0x2000, $0x38;
	[tilespmem:$0x1AD00] =	vst v63  }
0x7f: {  	_ =	swait.ge [sflag:s3], $0x2000  }
0x80: {  	s8 =	simm.s32 $0x10D00;
	[sflag:s3] =	ssyncset.done $0x0  }
0x81: {  	s26 =	simm.s32 $0xA;
	s17 =	rddreg [dreg:$0xb];
	[sflag:s3] =	ssyncadd.s32 $0xFFFFE000  }
0x82: {  	[hbm4b:s17+s28] =	stream.linear.scatter [tilespmem:s8], [sflag:$0x16], $0x2000, $0x38;
	[tilespmem:$0x1AD00] =	vst v63  }
0x83: {  	_ =	swait.ge [sflag:s26], $0x2000  }
0x84: {  	[sflag:s26] =	ssyncset.done $0x0  }
0x85: {  	s3 =	simm.s32 $0x12D00;
	s1 =	rddreg [dreg:$0xc];
	[sflag:s26] =	ssyncadd.s32 $0xFFFFE000  }
0x86: {  	[hbm4b:s1+s28] =	stream.linear.scatter [tilespmem:s3], [sflag:$0x17], $0x2000, $0x38;
	[tilespmem:$0x1AD00] =	vst v63  }
0x87: {  	s3 =	simm.s32 $0xB  }
0x88: {  	_ =	swait.ge [sflag:s3], $0x2000  }
0x89: {  	[sflag:s3] =	ssyncset.done $0x0  }
0x8a: {  	s17 =	simm.s32 $0x14D00;
	s8 =	rddreg [dreg:$0xd];
	[sflag:s3] =	ssyncadd.s32 $0xFFFFE000  }
0x8b: {  	[hbm4b:s8+s28] =	stream.linear.scatter [tilespmem:s17], [sflag:$0x18], $0x2000, $0x38;
	[tilespmem:$0x1AD00] =	vst v63  }
0x8c: {  	s8 =	simm.s32 $0xC  }
0x8d: {  	_ =	swait.ge [sflag:s8], $0x2000  }
0x8e: {  	[sflag:s8] =	ssyncset.done $0x0  }
0x8f: {  	s17 =	simm.s32 $0x16D00;
	s26 =	rddreg [dreg:$0xe];
	[sflag:s8] =	ssyncadd.s32 $0xFFFFE000  }
0x90: {  	[hbm4b:s26+s28] =	stream.linear.scatter [tilespmem:s17], [sflag:$0x19], $0x2000, $0x38;
	[tilespmem:$0x1AD00] =	vst v63  }
0x91: {  	_ =	swait.ge [sflag:s5], $0x2000  }
0x92: {  	[sflag:s5] =	ssyncset.done $0x0  }
0x93: {  	s17 =	simm.s32 $0x18D00;
	s26 =	rddreg [dreg:$0xf];
	[sflag:s5] =	ssyncadd.s32 $0xFFFFE000  }
0x94: {  	[hbm4b:s26+s28] =	stream.linear.scatter [tilespmem:s17], [sflag:$0x1A], $0x2000, $0x38;
	[tilespmem:$0x1AD00] =	vst v63  }
0x95: {  	_ =	swait.ge [sflag:s24], $0x2000  }
0x96: {  	s17 =	sld [smem:$0x7F1]  }
0x97: {  	[sflag:s24] =	ssyncset.done $0x0  }
0x98: {  	[sflag:s24] =	ssyncadd.s32 $0xFFFFE000  }
0x99: {  	[tilespmem:s22], [sflag:$0x1] =	stream.indirect.gather [hbm4b:s11+s31], $0x40, s17, s31, $0xb8;
	[tilespmem:$0x1AD00] =	vst v63  }
0x9a: {  	_ =	swait.ge [sflag:s20], $0x2000  }
0x9b: {  	s17 =	sld [smem:$0x7F2]  }
0x9c: {  	[sflag:s20] =	ssyncset.done $0x0  }
0x9d: {  	[sflag:s20] =	ssyncadd.s32 $0xFFFFE000  }
0x9e: {  	[tilespmem:s18], [sflag:$0x2] =	stream.indirect.gather [hbm4b:s11+s31], $0x40, s17, s31, $0xb8;
	[tilespmem:$0x1AD00] =	vst v63  }
0x9f: {  	_ =	swait.ge [sflag:s10], $0x2000  }
0xa0: {  	s17 =	sld [smem:$0x7F3]  }
0xa1: {  	[sflag:s10] =	ssyncset.done $0x0  }
0xa2: {  	[sflag:s10] =	ssyncadd.s32 $0xFFFFE000  }
0xa3: {  	[tilespmem:s14], [sflag:$0x3] =	stream.indirect.gather [hbm4b:s11+s31], $0x40, s17, s31, $0xb8;
	[tilespmem:$0x1AD00] =	vst v63  }
0xa4: {  	_ =	swait.ge [sflag:s12], $0x2000  }
0xa5: {  	s17 =	sld [smem:$0x7F4]  }
0xa6: {  	[sflag:s12] =	ssyncset.done $0x0  }
0xa7: {  	s2 =	simm.s32 $0x6D00;
	[sflag:s12] =	ssyncadd.s32 $0xFFFFE000  }
0xa8: {  	[tilespmem:s2], [sflag:$0x4] =	stream.indirect.gather [hbm4b:s11+s31], $0x40, s17, s31, $0xb8;
	[tilespmem:$0x1AD00] =	vst v63  }
0xa9: {  	_ =	swait.ge [sflag:s7], $0x2000  }
0xaa: {  	s17 =	sld [smem:$0x7F5]  }
0xab: {  	[sflag:s7] =	ssyncset.done $0x0  }
0xac: {  	[sflag:s7] =	ssyncadd.s32 $0xFFFFE000  }
0xad: {  	[tilespmem:s9], [sflag:$0x5] =	stream.indirect.gather [hbm4b:s11+s31], $0x40, s17, s31, $0xb8;
	[tilespmem:$0x1AD00] =	vst v63  }
0xae: {  	_ =	swait.ge [sflag:s30], $0x2000  }
0xaf: {  	s2 =	sld [smem:$0x7F6]  }
0xb0: {  	[sflag:s30] =	ssyncset.done $0x0  }
0xb1: {  	s25 =	simm.s32 $0xAD00;
	[sflag:s30] =	ssyncadd.s32 $0xFFFFE000  }
0xb2: {  	[tilespmem:s25], [sflag:$0x6] =	stream.indirect.gather [hbm4b:s11+s31], $0x40, s2, s31, $0xb8;
	[tilespmem:$0x1AD00] =	vst v63  }
0xb3: {  	s25 =	simm.s32 $0x14  }
0xb4: {  	_ =	swait.ge [sflag:s25], $0x2000  }
0xb5: {  	s17 =	sld [smem:$0x7F7]  }
0xb6: {  	[sflag:s25] =	ssyncset.done $0x0  }
0xb7: {  	s30 =	simm.s32 $0xCD00;
	[sflag:s25] =	ssyncadd.s32 $0xFFFFE000  }
0xb8: {  	[tilespmem:s30], [sflag:$0x7] =	stream.indirect.gather [hbm4b:s11+s31], $0x40, s17, s31, $0xb8;
	[tilespmem:$0x1AD00] =	vst v63  }
0xb9: {  	s17 =	simm.s32 $0x15  }
0xba: {  	_ =	swait.ge [sflag:s17], $0x2000  }
0xbb: {  	s26 =	sld [smem:$0x7F8]  }
0xbc: {  	[sflag:s17] =	ssyncset.done $0x0  }
0xbd: {  	s2 =	simm.s32 $0xED00;
	[sflag:s17] =	ssyncadd.s32 $0xFFFFE000  }
0xbe: {  	[tilespmem:s2], [sflag:$0x8] =	stream.indirect.gather [hbm4b:s11+s31], $0x40, s26, s31, $0xb8;
	[tilespmem:$0x1AD00] =	vst v63  }
0xbf: {  	_ =	swait.ge [sflag:s23], $0x2000  }
0xc0: {  	s26 =	sld [smem:$0x7F9]  }
0xc1: {  	[sflag:s23] =	ssyncset.done $0x0  }
0xc2: {  	s2 =	simm.s32 $0x10D00;
	[sflag:s23] =	ssyncadd.s32 $0xFFFFE000  }
0xc3: {  	[tilespmem:s2], [sflag:$0x9] =	stream.indirect.gather [hbm4b:s11+s31], $0x40, s26, s31, $0xb8;
	[tilespmem:$0x1AD00] =	vst v63  }
0xc4: {  	_ =	swait.ge [sflag:s19], $0x2000  }
0xc5: {  	s30 =	sld [smem:$0x7FA]  }
0xc6: {  	[sflag:s19] =	ssyncset.done $0x0  }
0xc7: {  	s1 =	simm.s32 $0x12D00;
	[sflag:s19] =	ssyncadd.s32 $0xFFFFE000  }
0xc8: {  	[tilespmem:s1], [sflag:$0xA] =	stream.indirect.gather [hbm4b:s11+s31], $0x40, s30, s31, $0xb8;
	[tilespmem:$0x1AD00] =	vst v63  }
0xc9: {  	_ =	swait.ge [sflag:s15], $0x2000  }
0xca: {  	s2 =	sld [smem:$0x7FB]  }
0xcb: {  	[sflag:s15] =	ssyncset.done $0x0  }
0xcc: {  	s21 =	simm.s32 $0x19;
	s1 =	simm.s32 $0x14D00;
	[sflag:s15] =	ssyncadd.s32 $0xFFFFE000  }
0xcd: {  	[tilespmem:s1], [sflag:$0xB] =	stream.indirect.gather [hbm4b:s11+s31], $0x40, s2, s31, $0xb8;
	[tilespmem:$0x1AD00] =	vst v63  }
0xce: {  	_ =	swait.ge [sflag:s21], $0x2000  }
0xcf: {  	s2 =	sld [smem:$0x7FC]  }
0xd0: {  	[sflag:s21] =	ssyncset.done $0x0  }
0xd1: {  	s1 =	simm.s32 $0x16D00;
	[sflag:s21] =	ssyncadd.s32 $0xFFFFE000  }
0xd2: {  	[tilespmem:s1], [sflag:$0xC] =	stream.indirect.gather [hbm4b:s11+s31], $0x40, s2, s31, $0xb8;
	[tilespmem:$0x1AD00] =	vst v63  }
0xd3: {  	_ =	swait.ge [sflag:s6], $0x2000  }
0xd4: {  	s26 =	sld [smem:$0x7FD]  }
0xd5: {  	[sflag:s6] =	ssyncset.done $0x0  }
0xd6: {  	s2 =	simm.s32 $0x18D00;
	[sflag:s6] =	ssyncadd.s32 $0xFFFFE000  }
0xd7: {  	[tilespmem:s2], [sflag:$0xD] =	stream.indirect.gather [hbm4b:s11+s31], $0x40, s26, s31, $0xb8;
	[tilespmem:$0x1AD00] =	vst v63  }
0xd8: {  	_ =	swait.ge [sflag:s29], $0x2000  }
0xd9: {  	[sflag:s29] =	ssyncset.done $0x0  }
0xda: {  	s26 =	rddreg [dreg:$0x10];
	[sflag:s29] =	ssyncadd.s32 $0xFFFFE000  }
0xdb: {  	[hbm4b:s26+s28] =	stream.linear.scatter [tilespmem:s22], [sflag:$0xE], $0x2000, $0x38;
	[tilespmem:$0x1AD00] =	vst v63  }
0xdc: {  	_ =	swait.ge [sflag:s16], $0x2000  }
0xdd: {  	[sflag:s16] =	ssyncset.done $0x0  }
0xde: {  	s22 =	rddreg [dreg:$0x11];
	[sflag:s16] =	ssyncadd.s32 $0xFFFFE000  }
0xdf: {  	[hbm4b:s22+s28] =	stream.linear.scatter [tilespmem:s18], [sflag:$0xF], $0x2000, $0x38;
	[tilespmem:$0x1AD00] =	vst v63  }
0xe0: {  	_ =	swait.ge [sflag:s4], $0x2000  }
0xe1: {  	[sflag:s4] =	ssyncset.done $0x0  }
0xe2: {  	s18 =	rddreg [dreg:$0x12];
	[sflag:s4] =	ssyncadd.s32 $0xFFFFE000  }
0xe3: {  	[hbm4b:s18+s28] =	stream.linear.scatter [tilespmem:s14], [sflag:$0x10], $0x2000, $0x38;
	[tilespmem:$0x1AD00] =	vst v63  }
0xe4: {  	_ =	swait.ge [sflag:s0], $0x2000  }
0xe5: {  	s13 =	simm.s32 $0x5;
	[sflag:s0] =	ssyncset.done $0x0  }
0xe6: {  	s4 =	simm.s32 $0x6D00;
	s22 =	rddreg [dreg:$0x13];
	[sflag:s0] =	ssyncadd.s32 $0xFFFFE000  }
0xe7: {  	[hbm4b:s22+s28] =	stream.linear.scatter [tilespmem:s4], [sflag:$0x11], $0x2000, $0x38;
	[tilespmem:$0x1AD00] =	vst v63  }
0xe8: {  	_ =	swait.ge [sflag:s13], $0x2000  }
0xe9: {  	[sflag:s13] =	ssyncset.done $0x0  }
0xea: {  	s16 =	simm.s32 $0x6;
	s14 =	rddreg [dreg:$0x14];
	[sflag:s13] =	ssyncadd.s32 $0xFFFFE000  }
0xeb: {  	[hbm4b:s14+s28] =	stream.linear.scatter [tilespmem:s9], [sflag:$0x12], $0x2000, $0x38;
	[tilespmem:$0x1AD00] =	vst v63  }
0xec: {  	_ =	swait.ge [sflag:s16], $0x2000  }
0xed: {  	s26 =	simm.s32 $0x7;
	[sflag:s16] =	ssyncset.done $0x0  }
0xee: {  	s22 =	simm.s32 $0xAD00;
	s18 =	rddreg [dreg:$0x15];
	[sflag:s16] =	ssyncadd.s32 $0xFFFFE000  }
0xef: {  	[hbm4b:s18+s28] =	stream.linear.scatter [tilespmem:s22], [sflag:$0x13], $0x2000, $0x38;
	[tilespmem:$0x1AD00] =	vst v63  }
0xf0: {  	_ =	swait.ge [sflag:s26], $0x2000  }
0xf1: {  	s13 =	simm.s32 $0x8;
	[sflag:s26] =	ssyncset.done $0x0  }
0xf2: {  	s9 =	simm.s32 $0xCD00;
	s4 =	rddreg [dreg:$0x16];
	[sflag:s26] =	ssyncadd.s32 $0xFFFFE000  }
0xf3: {  	[hbm4b:s4+s28] =	stream.linear.scatter [tilespmem:s9], [sflag:$0x14], $0x2000, $0x38;
	[tilespmem:$0x1AD00] =	vst v63  }
0xf4: {  	_ =	swait.ge [sflag:s13], $0x2000  }
0xf5: {  	s16 =	simm.s32 $0xED00;
	[sflag:s13] =	ssyncset.done $0x0  }
0xf6: {  	s18 =	simm.s32 $0x9;
	s14 =	rddreg [dreg:$0x17];
	[sflag:s13] =	ssyncadd.s32 $0xFFFFE000  }
0xf7: {  	[hbm4b:s14+s28] =	stream.linear.scatter [tilespmem:s16], [sflag:$0x15], $0x2000, $0x38;
	[tilespmem:$0x1AD00] =	vst v63  }
0xf8: {  	_ =	swait.ge [sflag:s18], $0x2000  }
0xf9: {  	s4 =	simm.s32 $0x10D00;
	[sflag:s18] =	ssyncset.done $0x0  }
0xfa: {  	s9 =	simm.s32 $0xA;
	s22 =	rddreg [dreg:$0x18];
	[sflag:s18] =	ssyncadd.s32 $0xFFFFE000  }
0xfb: {  	[hbm4b:s22+s28] =	stream.linear.scatter [tilespmem:s4], [sflag:$0x16], $0x2000, $0x38;
	[tilespmem:$0x1AD00] =	vst v63  }
0xfc: {  	_ =	swait.ge [sflag:s9], $0x2000  }
0xfd: {  	[sflag:s9] =	ssyncset.done $0x0  }
0xfe: {  	s14 =	simm.s32 $0x12D00;
	s13 =	rddreg [dreg:$0x19];
	[sflag:s9] =	ssyncadd.s32 $0xFFFFE000  }
0xff: {  	[hbm4b:s13+s28] =	stream.linear.scatter [tilespmem:s14], [sflag:$0x17], $0x2000, $0x38;
	[tilespmem:$0x1AD00] =	vst v63  }
0x100: {  	_ =	swait.ge [sflag:s3], $0x2000  }
0x101: {  	[sflag:s3] =	ssyncset.done $0x0  }
0x102: {  	s30 =	simm.s32 $0x14D00;
	s16 =	rddreg [dreg:$0x1a];
	[sflag:s3] =	ssyncadd.s32 $0xFFFFE000  }
0x103: {  	[hbm4b:s16+s28] =	stream.linear.scatter [tilespmem:s30], [sflag:$0x18], $0x2000, $0x38;
	[tilespmem:$0x1AD00] =	vst v63  }
0x104: {  	_ =	swait.ge [sflag:s8], $0x2000  }
0x105: {  	[sflag:s8] =	ssyncset.done $0x0  }
0x106: {  	s18 =	rddreg [dreg:$0x1b];
	[sflag:s8] =	ssyncadd.s32 $0xFFFFE000  }
0x107: {  	[hbm4b:s18+s28] =	stream.linear.scatter [tilespmem:s1], [sflag:$0x19], $0x2000, $0x38;
	[tilespmem:$0x1AD00] =	vst v63  }
0x108: {  	_ =	swait.ge [sflag:s5], $0x2000  }
0x109: {  	[sflag:s5] =	ssyncset.done $0x0  }
0x10a: {  	s22 =	rddreg [dreg:$0x1c];
	[sflag:s5] =	ssyncadd.s32 $0xFFFFE000  }
0x10b: {  	[hbm4b:s22+s28] =	stream.linear.scatter [tilespmem:s2], [sflag:$0x1A], $0x2000, $0x38;
	[tilespmem:$0x1AD00] =	vst v63  }
0x10c: {  	_ =	swait.ge [sflag:s24], $0x2000  }
0x10d: {  	[sflag:s24] =	ssyncset.done $0x0  }
0x10e: {  	[sflag:s24] =	ssyncadd.s32 $0xFFFFE000  }
0x10f: {  	_ =	swait.ge [sflag:s20], $0x2000  }
0x110: {  	[sflag:s20] =	ssyncset.done $0x0  }
0x111: {  	[sflag:s20] =	ssyncadd.s32 $0xFFFFE000  }
0x112: {  	_ =	swait.ge [sflag:s10], $0x2000  }
0x113: {  	[sflag:s10] =	ssyncset.done $0x0  }
0x114: {  	[sflag:s10] =	ssyncadd.s32 $0xFFFFE000  }
0x115: {  	_ =	swait.ge [sflag:s12], $0x2000  }
0x116: {  	[sflag:s12] =	ssyncset.done $0x0  }
0x117: {  	[sflag:s12] =	ssyncadd.s32 $0xFFFFE000  }
0x118: {  	_ =	swait.ge [sflag:s7], $0x2000  }
0x119: {  	[sflag:s7] =	ssyncset.done $0x0  }
0x11a: {  	s26 =	simm.s32 $0x13;
	[sflag:s7] =	ssyncadd.s32 $0xFFFFE000  }
0x11b: {  	_ =	swait.ge [sflag:s26], $0x2000  }
0x11c: {  	[sflag:s26] =	ssyncset.done $0x0  }
0x11d: {  	[sflag:s26] =	ssyncadd.s32 $0xFFFFE000  }
0x11e: {  	_ =	swait.ge [sflag:s25], $0x2000  }
0x11f: {  	[sflag:s25] =	ssyncset.done $0x0  }
0x120: {  	[sflag:s25] =	ssyncadd.s32 $0xFFFFE000  }
0x121: {  	_ =	swait.ge [sflag:s17], $0x2000  }
0x122: {  	[sflag:s17] =	ssyncset.done $0x0  }
0x123: {  	[sflag:s17] =	ssyncadd.s32 $0xFFFFE000  }
0x124: {  	_ =	swait.ge [sflag:s23], $0x2000  }
0x125: {  	[sflag:s23] =	ssyncset.done $0x0  }
0x126: {  	[sflag:s23] =	ssyncadd.s32 $0xFFFFE000  }
0x127: {  	_ =	swait.ge [sflag:s19], $0x2000  }
0x128: {  	[sflag:s19] =	ssyncset.done $0x0  }
0x129: {  	[sflag:s19] =	ssyncadd.s32 $0xFFFFE000  }
0x12a: {  	_ =	swait.ge [sflag:s15], $0x2000  }
0x12b: {  	[sflag:s15] =	ssyncset.done $0x0  }
0x12c: {  	[sflag:s15] =	ssyncadd.s32 $0xFFFFE000  }
0x12d: {  	_ =	swait.ge [sflag:s21], $0x2000  }
0x12e: {  	s30 =	sld [smem:$0x7E7];
	_ =	sdelay $0x2  }
0x12f: {  	p1 =	sne.s32 s30, $0x1  }
.Ltmp1:
0x130: {  	_ = 	snop;
	(pc) =	sbr.rel @!p1 .LBB2_7-.Ltmp1, $4  }
0x131: {  	[sflag:s21] =	ssyncset.done $0x0  }
0x132: {  	p0 =	por $0x1, $0x1;
	[sflag:s21] =	ssyncadd.s32 $0xFFFFE000  }
0x133: {  	s13 =	simm.s32 $0x16D00;
	s25 =	simm.s32 $0xAD00;
	_ =	swait.ge [sflag:s6], $0x2000  }
0x134: {  	s26 =	sadd.s32 $0xFFFFFFFF, s30;
	s29 =	rddreg [dreg:$0x3];
	[sflag:s6] =	ssyncset.done $0x0  }
0x135: {  	s16 =	simm.s32 $0x2;
	s20 =	simm.s32 $0x3;
	s24 =	simm.s32 $0x4  }
0x136: {  	s22 =	simm.s32 $0x6;
	s12 =	simm.s32 $0x7;
	s18 =	simm.s32 $0x8  }
0x137: {  	s7 =	simm.s32 $0x9;
	s14 =	simm.s32 $0xA;
	s9 =	simm.s32 $0xC  }
.LBB2_4:
0x138: {  	[sflag:s6] =	ssyncadd.s32 $0xFFFFE000;
	s0 =	simm.s32 $0x1B  }
0x139: {  	[tilespmem:s28], [sflag:$0x1B] =	stream.linear.gather [hbm4b:s29+s28], $0xD00, $0x38;
	[tilespmem:$0x1AD00] =	vst v63  }
0x13a: {  	_ =	swait.ge [sflag:s0], $0xD00  }
0x13b: {  	[sflag:s0] =	ssyncset.done $0x0  }
0x13c: {  	s13 =	simm.s32 $0xD00;
	[sflag:s0] =	ssyncadd.s32 $0xFFFFF300  }
0x13d: {  	[tilespmem:s13], [sflag:$0x1] =	stream.indirect.gather [hbm4b:s11+s31], $0x40, s28, s31, $0xb8;
	[tilespmem:$0x1AD00] =	vst v63  }
0x13e: {  	s15 =	simm.s32 $0x2D00;
	s29 =	rddreg [dreg:$0x1d]  }
0x13f: {  	[tilespmem:s15], [sflag:$0x2] =	stream.indirect.gather [hbm4b:s11+s31], $0x40, s31, s31, $0xb8;
	[tilespmem:$0x1AD00] =	vst v63  }
0x140: {  	s17 =	simm.s32 $0x4D00;
	s4 =	rddreg [dreg:$0x1e]  }
0x141: {  	[tilespmem:s17], [sflag:$0x3] =	stream.indirect.gather [hbm4b:s11+s31], $0x40, s29, s31, $0xb8;
	[tilespmem:$0x1AD00] =	vst v63  }
0x142: {  	s21 =	simm.s32 $0x6D00;
	s30 =	sld [smem:$0x7E9]  }
0x143: {  	[tilespmem:s21], [sflag:$0x4] =	stream.indirect.gather [hbm4b:s11+s31], $0x40, s4, s31, $0xb8;
	[tilespmem:$0x1AD00] =	vst v63  }
0x144: {  	s8 =	simm.s32 $0x8D00;
	s29 =	rddreg [dreg:$0x1f]  }
0x145: {  	[tilespmem:s8], [sflag:$0x5] =	stream.indirect.gather [hbm4b:s11+s31], $0x40, s29, s31, $0xb8;
	[tilespmem:$0x1AD00] =	vst v63  }
0x146: {  	s6 =	simm.s32 $0xAD00;
	s29 =	sld [smem:$0x7EA]  }
0x147: {  	[tilespmem:s6], [sflag:$0x6] =	stream.indirect.gather [hbm4b:s11+s31], $0x40, s30, s31, $0xb8;
	[tilespmem:$0x1AD00] =	vst v63  }
0x148: {  	s10 =	simm.s32 $0xCD00;
	s17 =	sld [smem:$0x7EB]  }
0x149: {  	[tilespmem:s10], [sflag:$0x7] =	stream.indirect.gather [hbm4b:s11+s31], $0x40, s29, s31, $0xb8;
	[tilespmem:$0x1AD00] =	vst v63  }
0x14a: {  	s19 =	simm.s32 $0xED00;
	s29 =	sld [smem:$0x7EC]  }
0x14b: {  	[tilespmem:s19], [sflag:$0x8] =	stream.indirect.gather [hbm4b:s11+s31], $0x40, s17, s31, $0xb8;
	[tilespmem:$0x1AD00] =	vst v63  }
0x14c: {  	s21 =	sld [smem:$0x7ED];
	s30 =	simm.s32 $0x10D00  }
0x14d: {  	[tilespmem:s30], [sflag:$0x9] =	stream.indirect.gather [hbm4b:s11+s31], $0x40, s29, s31, $0xb8;
	[tilespmem:$0x1AD00] =	vst v63  }
0x14e: {  	s8 =	simm.s32 $0x12D00;
	s29 =	sld [smem:$0x7EE]  }
0x14f: {  	[tilespmem:s8], [sflag:$0xA] =	stream.indirect.gather [hbm4b:s11+s31], $0x40, s21, s31, $0xb8;
	[tilespmem:$0x1AD00] =	vst v63  }
0x150: {  	s17 =	sld [smem:$0x7EF];
	s21 =	simm.s32 $0x14D00  }
0x151: {  	[tilespmem:s21], [sflag:$0xB] =	stream.indirect.gather [hbm4b:s11+s31], $0x40, s29, s31, $0xb8;
	[tilespmem:$0x1AD00] =	vst v63  }
0x152: {  	s30 =	simm.s32 $0x16D00;
	s29 =	sld [smem:$0x7F0]  }
0x153: {  	[tilespmem:s30], [sflag:$0xC] =	stream.indirect.gather [hbm4b:s11+s31], $0x40, s17, s31, $0xb8;
	[tilespmem:$0x1AD00] =	vst v63  }
0x154: {  	s8 =	simm.s32 $0x18D00  }
0x155: {  	[tilespmem:s8], [sflag:$0xD] =	stream.indirect.gather [hbm4b:s11+s31], $0x40, s29, s31, $0xb8;
	[tilespmem:$0x1AD00] =	vst v63  }
0x156: {  	s29 =	simm.s32 $0x1  }
0x157: {  	_ =	swait.ge [sflag:s29], $0x2000  }
0x158: {  	s17 =	sld [smem:$0x7E8]  }
0x159: {  	[sflag:s29] =	ssyncset.done $0x0  }
0x15a: {  	[sflag:s29] =	ssyncadd.s32 $0xFFFFE000  }
0x15b: {  	[hbm4b:s17+s28] =	stream.linear.scatter [tilespmem:s13], [sflag:$0xE], $0x2000, $0x38;
	[tilespmem:$0x1AD00] =	vst v63  }
0x15c: {  	_ =	swait.ge [sflag:s16], $0x2000  }
0x15d: {  	[sflag:s16] =	ssyncset.done $0x0  }
0x15e: {  	s5 =	simm.s32 $0x2D00;
	s21 =	rddreg [dreg:$0x4];
	[sflag:s16] =	ssyncadd.s32 $0xFFFFE000  }
0x15f: {  	[hbm4b:s21+s28] =	stream.linear.scatter [tilespmem:s5], [sflag:$0xF], $0x2000, $0x38;
	[tilespmem:$0x1AD00] =	vst v63  }
0x160: {  	_ =	swait.ge [sflag:s20], $0x2000  }
0x161: {  	[sflag:s20] =	ssyncset.done $0x0  }
0x162: {  	s3 =	simm.s32 $0x4D00;
	s30 =	rddreg [dreg:$0x5];
	[sflag:s20] =	ssyncadd.s32 $0xFFFFE000  }
0x163: {  	[hbm4b:s30+s28] =	stream.linear.scatter [tilespmem:s3], [sflag:$0x10], $0x2000, $0x38;
	[tilespmem:$0x1AD00] =	vst v63  }
0x164: {  	_ =	swait.ge [sflag:s24], $0x2000  }
0x165: {  	s2 =	simm.s32 $0x6D00;
	[sflag:s24] =	ssyncset.done $0x0  }
0x166: {  	s5 =	simm.s32 $0x5;
	s0 =	rddreg [dreg:$0x6];
	[sflag:s24] =	ssyncadd.s32 $0xFFFFE000  }
0x167: {  	[hbm4b:s0+s28] =	stream.linear.scatter [tilespmem:s2], [sflag:$0x11], $0x2000, $0x38;
	[tilespmem:$0x1AD00] =	vst v63  }
0x168: {  	_ =	swait.ge [sflag:s5], $0x2000  }
0x169: {  	[sflag:s5] =	ssyncset.done $0x0  }
0x16a: {  	s1 =	simm.s32 $0x8D00;
	s2 =	rddreg [dreg:$0x7];
	[sflag:s5] =	ssyncadd.s32 $0xFFFFE000  }
0x16b: {  	[hbm4b:s2+s28] =	stream.linear.scatter [tilespmem:s1], [sflag:$0x12], $0x2000, $0x38;
	[tilespmem:$0x1AD00] =	vst v63  }
0x16c: {  	_ =	swait.ge [sflag:s22], $0x2000  }
0x16d: {  	[sflag:s22] =	ssyncset.done $0x0  }
0x16e: {  	s3 =	rddreg [dreg:$0x8];
	[sflag:s22] =	ssyncadd.s32 $0xFFFFE000  }
0x16f: {  	[hbm4b:s3+s28] =	stream.linear.scatter [tilespmem:s6], [sflag:$0x13], $0x2000, $0x38;
	[tilespmem:$0x1AD00] =	vst v63  }
0x170: {  	_ =	swait.ge [sflag:s12], $0x2000  }
0x171: {  	[sflag:s12] =	ssyncset.done $0x0  }
0x172: {  	s8 =	rddreg [dreg:$0x9];
	[sflag:s12] =	ssyncadd.s32 $0xFFFFE000  }
0x173: {  	[hbm4b:s8+s28] =	stream.linear.scatter [tilespmem:s10], [sflag:$0x14], $0x2000, $0x38;
	[tilespmem:$0x1AD00] =	vst v63  }
0x174: {  	_ =	swait.ge [sflag:s18], $0x2000  }
0x175: {  	[sflag:s18] =	ssyncset.done $0x0  }
0x176: {  	s0 =	rddreg [dreg:$0xa];
	[sflag:s18] =	ssyncadd.s32 $0xFFFFE000  }
0x177: {  	[hbm4b:s0+s28] =	stream.linear.scatter [tilespmem:s19], [sflag:$0x15], $0x2000, $0x38;
	[tilespmem:$0x1AD00] =	vst v63  }
0x178: {  	_ =	swait.ge [sflag:s7], $0x2000  }
0x179: {  	[sflag:s7] =	ssyncset.done $0x0  }
0x17a: {  	s2 =	simm.s32 $0x10D00;
	s1 =	rddreg [dreg:$0xb];
	[sflag:s7] =	ssyncadd.s32 $0xFFFFE000  }
0x17b: {  	[hbm4b:s1+s28] =	stream.linear.scatter [tilespmem:s2], [sflag:$0x16], $0x2000, $0x38;
	[tilespmem:$0x1AD00] =	vst v63  }
0x17c: {  	_ =	swait.ge [sflag:s14], $0x2000  }
0x17d: {  	s8 =	simm.s32 $0x12D00;
	[sflag:s14] =	ssyncset.done $0x0  }
0x17e: {  	s0 =	simm.s32 $0xB;
	s3 =	rddreg [dreg:$0xc];
	[sflag:s14] =	ssyncadd.s32 $0xFFFFE000  }
0x17f: {  	[hbm4b:s3+s28] =	stream.linear.scatter [tilespmem:s8], [sflag:$0x17], $0x2000, $0x38;
	[tilespmem:$0x1AD00] =	vst v63  }
0x180: {  	_ =	swait.ge [sflag:s0], $0x2000  }
0x181: {  	[sflag:s0] =	ssyncset.done $0x0  }
0x182: {  	s8 =	simm.s32 $0x14D00;
	s1 =	rddreg [dreg:$0xd];
	[sflag:s0] =	ssyncadd.s32 $0xFFFFE000  }
0x183: {  	[hbm4b:s1+s28] =	stream.linear.scatter [tilespmem:s8], [sflag:$0x18], $0x2000, $0x38;
	[tilespmem:$0x1AD00] =	vst v63  }
0x184: {  	_ =	swait.ge [sflag:s9], $0x2000  }
0x185: {  	[sflag:s9] =	ssyncset.done $0x0  }
0x186: {  	s3 =	simm.s32 $0x16D00;
	s2 =	rddreg [dreg:$0xe];
	[sflag:s9] =	ssyncadd.s32 $0xFFFFE000  }
0x187: {  	[hbm4b:s2+s28] =	stream.linear.scatter [tilespmem:s3], [sflag:$0x19], $0x2000, $0x38;
	[tilespmem:$0x1AD00] =	vst v63  }
0x188: {  	s3 =	simm.s32 $0xD  }
0x189: {  	_ =	swait.ge [sflag:s3], $0x2000  }
0x18a: {  	[sflag:s3] =	ssyncset.done $0x0  }
0x18b: {  	s1 =	simm.s32 $0x18D00;
	s8 =	rddreg [dreg:$0xf];
	[sflag:s3] =	ssyncadd.s32 $0xFFFFE000  }
0x18c: {  	[hbm4b:s8+s28] =	stream.linear.scatter [tilespmem:s1], [sflag:$0x1A], $0x2000, $0x38;
	[tilespmem:$0x1AD00] =	vst v63  }
0x18d: {  	s8 =	simm.s32 $0xE  }
0x18e: {  	_ =	swait.ge [sflag:s8], $0x2000  }
0x18f: {  	s2 =	sld [smem:$0x7F1]  }
0x190: {  	[sflag:s8] =	ssyncset.done $0x0  }
0x191: {  	s1 =	simm.s32 $0xF;
	[sflag:s8] =	ssyncadd.s32 $0xFFFFE000  }
0x192: {  	[tilespmem:s13], [sflag:$0x1] =	stream.indirect.gather [hbm4b:s11+s31], $0x40, s2, s31, $0xb8;
	[tilespmem:$0x1AD00] =	vst v63  }
0x193: {  	_ =	swait.ge [sflag:s1], $0x2000  }
0x194: {  	s4 =	sld [smem:$0x7F2]  }
0x195: {  	[sflag:s1] =	ssyncset.done $0x0  }
0x196: {  	s2 =	simm.s32 $0x2D00;
	[sflag:s1] =	ssyncadd.s32 $0xFFFFE000  }
0x197: {  	[tilespmem:s2], [sflag:$0x2] =	stream.indirect.gather [hbm4b:s11+s31], $0x40, s4, s31, $0xb8;
	[tilespmem:$0x1AD00] =	vst v63  }
0x198: {  	s2 =	simm.s32 $0x10  }
0x199: {  	_ =	swait.ge [sflag:s2], $0x2000  }
0x19a: {  	s4 =	sld [smem:$0x7F3]  }
0x19b: {  	[sflag:s2] =	ssyncset.done $0x0  }
0x19c: {  	s30 =	simm.s32 $0x4D00;
	[sflag:s2] =	ssyncadd.s32 $0xFFFFE000  }
0x19d: {  	[tilespmem:s30], [sflag:$0x3] =	stream.indirect.gather [hbm4b:s11+s31], $0x40, s4, s31, $0xb8;
	[tilespmem:$0x1AD00] =	vst v63  }
0x19e: {  	s30 =	simm.s32 $0x11  }
0x19f: {  	_ =	swait.ge [sflag:s30], $0x2000  }
0x1a0: {  	s4 =	sld [smem:$0x7F4]  }
0x1a1: {  	[sflag:s30] =	ssyncset.done $0x0  }
0x1a2: {  	s21 =	simm.s32 $0x6D00;
	[sflag:s30] =	ssyncadd.s32 $0xFFFFE000  }
0x1a3: {  	[tilespmem:s21], [sflag:$0x4] =	stream.indirect.gather [hbm4b:s11+s31], $0x40, s4, s31, $0xb8;
	[tilespmem:$0x1AD00] =	vst v63  }
0x1a4: {  	s21 =	simm.s32 $0x12  }
0x1a5: {  	_ =	swait.ge [sflag:s21], $0x2000  }
0x1a6: {  	s4 =	sld [smem:$0x7F5]  }
0x1a7: {  	[sflag:s21] =	ssyncset.done $0x0  }
0x1a8: {  	s17 =	simm.s32 $0x8D00;
	[sflag:s21] =	ssyncadd.s32 $0xFFFFE000  }
0x1a9: {  	[tilespmem:s17], [sflag:$0x5] =	stream.indirect.gather [hbm4b:s11+s31], $0x40, s4, s31, $0xb8;
	[tilespmem:$0x1AD00] =	vst v63  }
0x1aa: {  	s17 =	simm.s32 $0x13  }
0x1ab: {  	_ =	swait.ge [sflag:s17], $0x2000  }
0x1ac: {  	s4 =	sld [smem:$0x7F6]  }
0x1ad: {  	[sflag:s17] =	ssyncset.done $0x0  }
0x1ae: {  	s25 =	simm.s32 $0x14;
	[sflag:s17] =	ssyncadd.s32 $0xFFFFE000  }
0x1af: {  	[tilespmem:s6], [sflag:$0x6] =	stream.indirect.gather [hbm4b:s11+s31], $0x40, s4, s31, $0xb8;
	[tilespmem:$0x1AD00] =	vst v63  }
0x1b0: {  	_ =	swait.ge [sflag:s25], $0x2000  }
0x1b1: {  	s6 =	sld [smem:$0x7F7]  }
0x1b2: {  	[sflag:s25] =	ssyncset.done $0x0  }
0x1b3: {  	s15 =	simm.s32 $0x15;
	[sflag:s25] =	ssyncadd.s32 $0xFFFFE000  }
0x1b4: {  	[tilespmem:s10], [sflag:$0x7] =	stream.indirect.gather [hbm4b:s11+s31], $0x40, s6, s31, $0xb8;
	[tilespmem:$0x1AD00] =	vst v63  }
0x1b5: {  	_ =	swait.ge [sflag:s15], $0x2000  }
0x1b6: {  	s10 =	sld [smem:$0x7F8]  }
0x1b7: {  	[sflag:s15] =	ssyncset.done $0x0  }
0x1b8: {  	s23 =	simm.s32 $0x16;
	[sflag:s15] =	ssyncadd.s32 $0xFFFFE000  }
0x1b9: {  	[tilespmem:s19], [sflag:$0x8] =	stream.indirect.gather [hbm4b:s11+s31], $0x40, s10, s31, $0xb8;
	[tilespmem:$0x1AD00] =	vst v63  }
0x1ba: {  	_ =	swait.ge [sflag:s23], $0x2000  }
0x1bb: {  	s19 =	sld [smem:$0x7F9]  }
0x1bc: {  	[sflag:s23] =	ssyncset.done $0x0  }
0x1bd: {  	s6 =	simm.s32 $0x17;
	[sflag:s23] =	ssyncadd.s32 $0xFFFFE000;
	s23 =	simm.s32 $0x10D00  }
0x1be: {  	[tilespmem:s23], [sflag:$0x9] =	stream.indirect.gather [hbm4b:s11+s31], $0x40, s19, s31, $0xb8;
	[tilespmem:$0x1AD00] =	vst v63  }
0x1bf: {  	_ =	swait.ge [sflag:s6], $0x2000  }
0x1c0: {  	s10 =	simm.s32 $0x17;
	s4 =	sld [smem:$0x7FA]  }
0x1c1: {  	s15 =	simm.s32 $0x17;
	[sflag:s10] =	ssyncset.done $0x0  }
0x1c2: {  	s19 =	simm.s32 $0x12D00;
	s10 =	simm.s32 $0x18;
	[sflag:s15] =	ssyncadd.s32 $0xFFFFE000  }
0x1c3: {  	[tilespmem:s19], [sflag:$0xA] =	stream.indirect.gather [hbm4b:s11+s31], $0x40, s4, s31, $0xb8;
	[tilespmem:$0x1AD00] =	vst v63  }
0x1c4: {  	_ =	swait.ge [sflag:s10], $0x2000  }
0x1c5: {  	s15 =	simm.s32 $0x18;
	s4 =	sld [smem:$0x7FB]  }
0x1c6: {  	s10 =	simm.s32 $0x18;
	[sflag:s15] =	ssyncset.done $0x0  }
0x1c7: {  	s6 =	simm.s32 $0x19;
	s15 =	simm.s32 $0x14D00;
	[sflag:s10] =	ssyncadd.s32 $0xFFFFE000  }
0x1c8: {  	[tilespmem:s15], [sflag:$0xB] =	stream.indirect.gather [hbm4b:s11+s31], $0x40, s4, s31, $0xb8;
	[tilespmem:$0x1AD00] =	vst v63  }
0x1c9: {  	_ =	swait.ge [sflag:s6], $0x2000  }
0x1ca: {  	s10 =	simm.s32 $0x19;
	s4 =	sld [smem:$0x7FC]  }
0x1cb: {  	[sflag:s10] =	ssyncset.done $0x0;
	s10 =	simm.s32 $0x19  }
0x1cc: {  	s6 =	simm.s32 $0x1A;
	[sflag:s10] =	ssyncadd.s32 $0xFFFFE000;
	s10 =	simm.s32 $0x16D00  }
0x1cd: {  	[tilespmem:s10], [sflag:$0xC] =	stream.indirect.gather [hbm4b:s11+s31], $0x40, s4, s31, $0xb8;
	[tilespmem:$0x1AD00] =	vst v63  }
0x1ce: {  	_ =	swait.ge [sflag:s6], $0x2000  }
0x1cf: {  	s6 =	simm.s32 $0x1A;
	s4 =	sld [smem:$0x7FD]  }
0x1d0: {  	[sflag:s6] =	ssyncset.done $0x0;
	s6 =	simm.s32 $0x1A  }
0x1d1: {  	[sflag:s6] =	ssyncadd.s32 $0xFFFFE000;
	s6 =	simm.s32 $0x18D00  }
0x1d2: {  	[tilespmem:s6], [sflag:$0xD] =	stream.indirect.gather [hbm4b:s11+s31], $0x40, s4, s31, $0xb8;
	[tilespmem:$0x1AD00] =	vst v63  }
0x1d3: {  	_ =	swait.ge [sflag:s29], $0x2000  }
0x1d4: {  	[sflag:s29] =	ssyncset.done $0x0  }
0x1d5: {  	s6 =	rddreg [dreg:$0x10];
	[sflag:s29] =	ssyncadd.s32 $0xFFFFE000  }
0x1d6: {  	[hbm4b:s6+s28] =	stream.linear.scatter [tilespmem:s13], [sflag:$0xE], $0x2000, $0x38;
	[tilespmem:$0x1AD00] =	vst v63  }
0x1d7: {  	_ =	swait.ge [sflag:s16], $0x2000  }
0x1d8: {  	[sflag:s16] =	ssyncset.done $0x0  }
0x1d9: {  	s13 =	simm.s32 $0x2D00;
	s6 =	rddreg [dreg:$0x11];
	[sflag:s16] =	ssyncadd.s32 $0xFFFFE000  }
0x1da: {  	[hbm4b:s6+s28] =	stream.linear.scatter [tilespmem:s13], [sflag:$0xF], $0x2000, $0x38;
	[tilespmem:$0x1AD00] =	vst v63  }
0x1db: {  	_ =	swait.ge [sflag:s20], $0x2000  }
0x1dc: {  	[sflag:s20] =	ssyncset.done $0x0  }
0x1dd: {  	s13 =	simm.s32 $0x4D00;
	s6 =	rddreg [dreg:$0x12];
	[sflag:s20] =	ssyncadd.s32 $0xFFFFE000  }
0x1de: {  	[hbm4b:s6+s28] =	stream.linear.scatter [tilespmem:s13], [sflag:$0x10], $0x2000, $0x38;
	[tilespmem:$0x1AD00] =	vst v63  }
0x1df: {  	_ =	swait.ge [sflag:s24], $0x2000  }
0x1e0: {  	[sflag:s24] =	ssyncset.done $0x0  }
0x1e1: {  	s13 =	simm.s32 $0x6D00;
	s6 =	rddreg [dreg:$0x13];
	[sflag:s24] =	ssyncadd.s32 $0xFFFFE000  }
0x1e2: {  	[hbm4b:s6+s28] =	stream.linear.scatter [tilespmem:s13], [sflag:$0x11], $0x2000, $0x38;
	[tilespmem:$0x1AD00] =	vst v63  }
0x1e3: {  	_ =	swait.ge [sflag:s5], $0x2000  }
0x1e4: {  	[sflag:s5] =	ssyncset.done $0x0  }
0x1e5: {  	s13 =	simm.s32 $0x8D00;
	s6 =	rddreg [dreg:$0x14];
	[sflag:s5] =	ssyncadd.s32 $0xFFFFE000  }
0x1e6: {  	[hbm4b:s6+s28] =	stream.linear.scatter [tilespmem:s13], [sflag:$0x12], $0x2000, $0x38;
	[tilespmem:$0x1AD00] =	vst v63  }
0x1e7: {  	_ =	swait.ge [sflag:s22], $0x2000  }
0x1e8: {  	[sflag:s22] =	ssyncset.done $0x0  }
0x1e9: {  	s25 =	simm.s32 $0xAD00;
	s5 =	rddreg [dreg:$0x15];
	[sflag:s22] =	ssyncadd.s32 $0xFFFFE000  }
0x1ea: {  	[hbm4b:s5+s28] =	stream.linear.scatter [tilespmem:s25], [sflag:$0x13], $0x2000, $0x38;
	[tilespmem:$0x1AD00] =	vst v63  }
0x1eb: {  	_ =	swait.ge [sflag:s12], $0x2000  }
0x1ec: {  	[sflag:s12] =	ssyncset.done $0x0  }
0x1ed: {  	s13 =	simm.s32 $0xCD00;
	s6 =	rddreg [dreg:$0x16];
	[sflag:s12] =	ssyncadd.s32 $0xFFFFE000  }
0x1ee: {  	[hbm4b:s6+s28] =	stream.linear.scatter [tilespmem:s13], [sflag:$0x14], $0x2000, $0x38;
	[tilespmem:$0x1AD00] =	vst v63  }
0x1ef: {  	_ =	swait.ge [sflag:s18], $0x2000  }
0x1f0: {  	[sflag:s18] =	ssyncset.done $0x0  }
0x1f1: {  	s13 =	simm.s32 $0xED00;
	s6 =	rddreg [dreg:$0x17];
	[sflag:s18] =	ssyncadd.s32 $0xFFFFE000  }
0x1f2: {  	[hbm4b:s6+s28] =	stream.linear.scatter [tilespmem:s13], [sflag:$0x15], $0x2000, $0x38;
	[tilespmem:$0x1AD00] =	vst v63  }
0x1f3: {  	_ =	swait.ge [sflag:s7], $0x2000  }
0x1f4: {  	[sflag:s7] =	ssyncset.done $0x0  }
0x1f5: {  	s13 =	simm.s32 $0x10D00;
	s6 =	rddreg [dreg:$0x18];
	[sflag:s7] =	ssyncadd.s32 $0xFFFFE000  }
0x1f6: {  	[hbm4b:s6+s28] =	stream.linear.scatter [tilespmem:s13], [sflag:$0x16], $0x2000, $0x38;
	[tilespmem:$0x1AD00] =	vst v63  }
0x1f7: {  	_ =	swait.ge [sflag:s14], $0x2000  }
0x1f8: {  	[sflag:s14] =	ssyncset.done $0x0  }
0x1f9: {  	s13 =	simm.s32 $0x12D00;
	s6 =	rddreg [dreg:$0x19];
	[sflag:s14] =	ssyncadd.s32 $0xFFFFE000  }
0x1fa: {  	[hbm4b:s6+s28] =	stream.linear.scatter [tilespmem:s13], [sflag:$0x17], $0x2000, $0x38;
	[tilespmem:$0x1AD00] =	vst v63  }
0x1fb: {  	_ =	swait.ge [sflag:s0], $0x2000  }
0x1fc: {  	[sflag:s0] =	ssyncset.done $0x0  }
0x1fd: {  	s13 =	simm.s32 $0x14D00;
	s6 =	rddreg [dreg:$0x1a];
	[sflag:s0] =	ssyncadd.s32 $0xFFFFE000  }
0x1fe: {  	[hbm4b:s6+s28] =	stream.linear.scatter [tilespmem:s13], [sflag:$0x18], $0x2000, $0x38;
	[tilespmem:$0x1AD00] =	vst v63  }
0x1ff: {  	_ =	swait.ge [sflag:s9], $0x2000  }
0x200: {  	[sflag:s9] =	ssyncset.done $0x0  }
0x201: {  	s6 =	simm.s32 $0x16D00;
	s5 =	rddreg [dreg:$0x1b];
	[sflag:s9] =	ssyncadd.s32 $0xFFFFE000  }
0x202: {  	[hbm4b:s5+s28] =	stream.linear.scatter [tilespmem:s6], [sflag:$0x19], $0x2000, $0x38;
	[tilespmem:$0x1AD00] =	vst v63  }
0x203: {  	_ =	swait.ge [sflag:s3], $0x2000  }
0x204: {  	[sflag:s3] =	ssyncset.done $0x0  }
0x205: {  	s6 =	simm.s32 $0x18D00;
	s5 =	rddreg [dreg:$0x1c];
	[sflag:s3] =	ssyncadd.s32 $0xFFFFE000  }
0x206: {  	[hbm4b:s5+s28] =	stream.linear.scatter [tilespmem:s6], [sflag:$0x1A], $0x2000, $0x38;
	[tilespmem:$0x1AD00] =	vst v63  }
0x207: {  	_ =	swait.ge [sflag:s8], $0x2000  }
0x208: {  	[sflag:s8] =	ssyncset.done $0x0  }
0x209: {  	[sflag:s8] =	ssyncadd.s32 $0xFFFFE000  }
0x20a: {  	_ =	swait.ge [sflag:s1], $0x2000  }
0x20b: {  	[sflag:s1] =	ssyncset.done $0x0  }
0x20c: {  	[sflag:s1] =	ssyncadd.s32 $0xFFFFE000  }
0x20d: {  	_ =	swait.ge [sflag:s2], $0x2000  }
0x20e: {  	[sflag:s2] =	ssyncset.done $0x0  }
0x20f: {  	[sflag:s2] =	ssyncadd.s32 $0xFFFFE000  }
0x210: {  	_ =	swait.ge [sflag:s30], $0x2000  }
0x211: {  	[sflag:s30] =	ssyncset.done $0x0  }
0x212: {  	[sflag:s30] =	ssyncadd.s32 $0xFFFFE000  }
0x213: {  	_ =	swait.ge [sflag:s21], $0x2000  }
0x214: {  	[sflag:s21] =	ssyncset.done $0x0  }
0x215: {  	[sflag:s21] =	ssyncadd.s32 $0xFFFFE000  }
0x216: {  	_ =	swait.ge [sflag:s17], $0x2000  }
0x217: {  	[sflag:s17] =	ssyncset.done $0x0  }
0x218: {  	s8 =	simm.s32 $0x14;
	[sflag:s17] =	ssyncadd.s32 $0xFFFFE000  }
0x219: {  	_ =	swait.ge [sflag:s8], $0x2000  }
0x21a: {  	s17 =	simm.s32 $0x14;
	[sflag:s8] =	ssyncset.done $0x0  }
0x21b: {  	s21 =	simm.s32 $0x15;
	[sflag:s17] =	ssyncadd.s32 $0xFFFFE000  }
0x21c: {  	_ =	swait.ge [sflag:s21], $0x2000  }
0x21d: {  	s30 =	simm.s32 $0x15;
	[sflag:s21] =	ssyncset.done $0x0  }
0x21e: {  	s23 =	simm.s32 $0x16;
	[sflag:s30] =	ssyncadd.s32 $0xFFFFE000  }
0x21f: {  	_ =	swait.ge [sflag:s23], $0x2000  }
0x220: {  	[sflag:s23] =	ssyncset.done $0x0  }
0x221: {  	s19 =	simm.s32 $0x17;
	[sflag:s23] =	ssyncadd.s32 $0xFFFFE000  }
0x222: {  	_ =	swait.ge [sflag:s19], $0x2000  }
0x223: {  	[sflag:s19] =	ssyncset.done $0x0  }
0x224: {  	s15 =	simm.s32 $0x18;
	[sflag:s19] =	ssyncadd.s32 $0xFFFFE000  }
0x225: {  	_ =	swait.ge [sflag:s15], $0x2000  }
0x226: {  	[sflag:s15] =	ssyncset.done $0x0  }
0x227: {  	p1 =	sne.s32 s26, $0x1;
	s10 =	simm.s32 $0x19;
	[sflag:s15] =	ssyncadd.s32 $0xFFFFE000  }
.Ltmp2:
0x228: {  	_ =	swait.ge [sflag:s10], $0x2000;
	(pc) =	sbr.rel @p1 .LBB2_4-.Ltmp2, $4  }
0x229: {  	[sflag:s10] =	ssyncset.done $0x0  }
0x22a: {  	s6 =	simm.s32 $0x1A;
	[sflag:s10] =	ssyncadd.s32 $0xFFFFE000  }
0x22b: {  	s26 =	sadd.s32 $0xFFFFFFFF, s26;
	_ =	swait.ge [sflag:s6], $0x2000  }
0x22c: {  	s13 =	simm.s32 $0x16D00;
	s29 =	rddreg [dreg:$0x3];
	[sflag:s6] =	ssyncset.done $0x0  }
0x22d: {  	s16 =	sld [smem:$0x7E8]  }
0x22e: {  	s9 =	simm.s32 $0x8D00;
	s7 =	simm.s32 $0x12;
	s3 =	simm.s32 $0x6D00  }
0x22f: {  	s12 =	simm.s32 $0x11;
	s14 =	simm.s32 $0x4D00;
	s10 =	simm.s32 $0x10  }
0x230: {  	s18 =	simm.s32 $0x2D00;
	s20 =	simm.s32 $0xF;
	s22 =	simm.s32 $0xD00  }
0x231: {  	s24 =	simm.s32 $0xE;
	s5 =	simm.s32 $0xD;
	s26 =	simm.s32 $0x1B  }
.LBB2_6:
0x232: {  	[sflag:s6] =	ssyncadd.s32 @p0 $0xFFFFE000  }
0x233: {  	[tilespmem:s28], [sflag:$0x1B] =	stream.linear.gather [hbm4b:s29+s28], $0xD00, $0x38;
	[tilespmem:$0x1AD00] =	vst v63  }
0x234: {  	_ =	swait.ge [sflag:s26], $0xD00  }
0x235: {  	[sflag:s26] =	ssyncset.done $0x0  }
0x236: {  	[sflag:s26] =	ssyncadd.s32 $0xFFFFF300  }
0x237: {  	[tilespmem:s22], [sflag:$0x1] =	stream.indirect.gather [hbm4b:s11+s31], $0x40, s28, s31, $0xb8;
	[tilespmem:$0x1AD00] =	vst v63  }
0x238: {  	s4 =	rddreg [dreg:$0x1d]  }
0x239: {  	[tilespmem:s18], [sflag:$0x2] =	stream.indirect.gather [hbm4b:s11+s31], $0x40, s31, s31, $0xb8;
	[tilespmem:$0x1AD00] =	vst v63  }
0x23a: {  	s6 =	rddreg [dreg:$0x1e]  }
0x23b: {  	[tilespmem:s14], [sflag:$0x3] =	stream.indirect.gather [hbm4b:s11+s31], $0x40, s4, s31, $0xb8;
	[tilespmem:$0x1AD00] =	vst v63  }
0x23c: {  	s8 =	rddreg [dreg:$0x1f]  }
0x23d: {  	[tilespmem:s3], [sflag:$0x4] =	stream.indirect.gather [hbm4b:s11+s31], $0x40, s6, s31, $0xb8;
	[tilespmem:$0x1AD00] =	vst v63  }
0x23e: {  	s17 =	sld [smem:$0x7E9]  }
0x23f: {  	[tilespmem:s9], [sflag:$0x5] =	stream.indirect.gather [hbm4b:s11+s31], $0x40, s8, s31, $0xb8;
	[tilespmem:$0x1AD00] =	vst v63  }
0x240: {  	s21 =	sld [smem:$0x7EA]  }
0x241: {  	[tilespmem:s25], [sflag:$0x6] =	stream.indirect.gather [hbm4b:s11+s31], $0x40, s17, s31, $0xb8;
	[tilespmem:$0x1AD00] =	vst v63  }
0x242: {  	s0 =	simm.s32 $0xCD00;
	s29 =	sld [smem:$0x7EB]  }
0x243: {  	[tilespmem:s0], [sflag:$0x7] =	stream.indirect.gather [hbm4b:s11+s31], $0x40, s21, s31, $0xb8;
	[tilespmem:$0x1AD00] =	vst v63  }
0x244: {  	s2 =	simm.s32 $0xED00;
	s30 =	sld [smem:$0x7EC]  }
0x245: {  	[tilespmem:s2], [sflag:$0x8] =	stream.indirect.gather [hbm4b:s11+s31], $0x40, s29, s31, $0xb8;
	[tilespmem:$0x1AD00] =	vst v63  }
0x246: {  	s0 =	sld [smem:$0x7ED];
	s21 =	simm.s32 $0x10D00  }
0x247: {  	[tilespmem:s21], [sflag:$0x9] =	stream.indirect.gather [hbm4b:s11+s31], $0x40, s30, s31, $0xb8;
	[tilespmem:$0x1AD00] =	vst v63  }
0x248: {  	s1 =	simm.s32 $0x12D00;
	s6 =	sld [smem:$0x7EE]  }
0x249: {  	[tilespmem:s1], [sflag:$0xA] =	stream.indirect.gather [hbm4b:s11+s31], $0x40, s0, s31, $0xb8;
	[tilespmem:$0x1AD00] =	vst v63  }
0x24a: {  	s17 =	sld [smem:$0x7EF];
	s0 =	simm.s32 $0x14D00  }
0x24b: {  	[tilespmem:s0], [sflag:$0xB] =	stream.indirect.gather [hbm4b:s11+s31], $0x40, s6, s31, $0xb8;
	[tilespmem:$0x1AD00] =	vst v63  }
0x24c: {  	s29 =	sld [smem:$0x7F0]  }
0x24d: {  	[tilespmem:s13], [sflag:$0xC] =	stream.indirect.gather [hbm4b:s11+s31], $0x40, s17, s31, $0xb8;
	[tilespmem:$0x1AD00] =	vst v63  }
0x24e: {  	s30 =	simm.s32 $0x18D00;
	s6 =	simm.s32 $0x1  }
0x24f: {  	[tilespmem:s30], [sflag:$0xD] =	stream.indirect.gather [hbm4b:s11+s31], $0x40, s29, s31, $0xb8;
	[tilespmem:$0x1AD00] =	vst v63  }
0x250: {  	_ =	swait.ge [sflag:s6], $0x2000  }
0x251: {  	[sflag:s6] =	ssyncset.done $0x0  }
0x252: {  	s4 =	simm.s32 $0x2;
	[sflag:s6] =	ssyncadd.s32 $0xFFFFE000  }
0x253: {  	[hbm4b:s16+s28] =	stream.linear.scatter [tilespmem:s22], [sflag:$0xE], $0x2000, $0x38;
	[tilespmem:$0x1AD00] =	vst v63  }
0x254: {  	_ =	swait.ge [sflag:s4], $0x2000  }
0x255: {  	[sflag:s4] =	ssyncset.done $0x0  }
0x256: {  	s29 =	simm.s32 $0x3;
	s26 =	rddreg [dreg:$0x4];
	[sflag:s4] =	ssyncadd.s32 $0xFFFFE000  }
0x257: {  	[hbm4b:s26+s28] =	stream.linear.scatter [tilespmem:s18], [sflag:$0xF], $0x2000, $0x38;
	[tilespmem:$0x1AD00] =	vst v63  }
0x258: {  	_ =	swait.ge [sflag:s29], $0x2000  }
0x259: {  	[sflag:s29] =	ssyncset.done $0x0  }
0x25a: {  	s4 =	simm.s32 $0x4;
	s30 =	rddreg [dreg:$0x5];
	[sflag:s29] =	ssyncadd.s32 $0xFFFFE000  }
0x25b: {  	[hbm4b:s30+s28] =	stream.linear.scatter [tilespmem:s14], [sflag:$0x10], $0x2000, $0x38;
	[tilespmem:$0x1AD00] =	vst v63  }
0x25c: {  	_ =	swait.ge [sflag:s4], $0x2000  }
0x25d: {  	[sflag:s4] =	ssyncset.done $0x0  }
0x25e: {  	s29 =	simm.s32 $0x5;
	s26 =	rddreg [dreg:$0x6];
	[sflag:s4] =	ssyncadd.s32 $0xFFFFE000  }
0x25f: {  	[hbm4b:s26+s28] =	stream.linear.scatter [tilespmem:s3], [sflag:$0x11], $0x2000, $0x38;
	[tilespmem:$0x1AD00] =	vst v63  }
0x260: {  	_ =	swait.ge [sflag:s29], $0x2000  }
0x261: {  	[sflag:s29] =	ssyncset.done $0x0  }
0x262: {  	s4 =	simm.s32 $0x6;
	s30 =	rddreg [dreg:$0x7];
	[sflag:s29] =	ssyncadd.s32 $0xFFFFE000  }
0x263: {  	[hbm4b:s30+s28] =	stream.linear.scatter [tilespmem:s9], [sflag:$0x12], $0x2000, $0x38;
	[tilespmem:$0x1AD00] =	vst v63  }
0x264: {  	_ =	swait.ge [sflag:s4], $0x2000  }
0x265: {  	[sflag:s4] =	ssyncset.done $0x0  }
0x266: {  	s29 =	simm.s32 $0x7;
	s26 =	rddreg [dreg:$0x8];
	[sflag:s4] =	ssyncadd.s32 $0xFFFFE000  }
0x267: {  	[hbm4b:s26+s28] =	stream.linear.scatter [tilespmem:s25], [sflag:$0x13], $0x2000, $0x38;
	[tilespmem:$0x1AD00] =	vst v63  }
0x268: {  	_ =	swait.ge [sflag:s29], $0x2000  }
0x269: {  	s8 =	simm.s32 $0xCD00;
	[sflag:s29] =	ssyncset.done $0x0  }
0x26a: {  	s30 =	rddreg [dreg:$0x9];
	[sflag:s29] =	ssyncadd.s32 $0xFFFFE000;
	s29 =	simm.s32 $0x8  }
0x26b: {  	[hbm4b:s30+s28] =	stream.linear.scatter [tilespmem:s8], [sflag:$0x14], $0x2000, $0x38;
	[tilespmem:$0x1AD00] =	vst v63  }
0x26c: {  	_ =	swait.ge [sflag:s29], $0x2000  }
0x26d: {  	[sflag:s29] =	ssyncset.done $0x0  }
0x26e: {  	s26 =	rddreg [dreg:$0xa];
	[sflag:s29] =	ssyncadd.s32 $0xFFFFE000  }
0x26f: {  	[hbm4b:s26+s28] =	stream.linear.scatter [tilespmem:s2], [sflag:$0x15], $0x2000, $0x38;
	[tilespmem:$0x1AD00] =	vst v63  }
0x270: {  	s26 =	simm.s32 $0x9  }
0x271: {  	_ =	swait.ge [sflag:s26], $0x2000  }
0x272: {  	[sflag:s26] =	ssyncset.done $0x0  }
0x273: {  	s16 =	simm.s32 $0xA;
	s30 =	rddreg [dreg:$0xb];
	[sflag:s26] =	ssyncadd.s32 $0xFFFFE000  }
0x274: {  	[hbm4b:s30+s28] =	stream.linear.scatter [tilespmem:s21], [sflag:$0x16], $0x2000, $0x38;
	[tilespmem:$0x1AD00] =	vst v63  }
0x275: {  	_ =	swait.ge [sflag:s16], $0x2000  }
0x276: {  	[sflag:s16] =	ssyncset.done $0x0  }
0x277: {  	s8 =	rddreg [dreg:$0xc];
	[sflag:s16] =	ssyncadd.s32 $0xFFFFE000  }
0x278: {  	[hbm4b:s8+s28] =	stream.linear.scatter [tilespmem:s1], [sflag:$0x17], $0x2000, $0x38;
	[tilespmem:$0x1AD00] =	vst v63  }
0x279: {  	s8 =	simm.s32 $0xB  }
0x27a: {  	_ =	swait.ge [sflag:s8], $0x2000  }
0x27b: {  	[sflag:s8] =	ssyncset.done $0x0  }
0x27c: {  	s30 =	rddreg [dreg:$0xd];
	[sflag:s8] =	ssyncadd.s32 $0xFFFFE000  }
0x27d: {  	[hbm4b:s30+s28] =	stream.linear.scatter [tilespmem:s0], [sflag:$0x18], $0x2000, $0x38;
	[tilespmem:$0x1AD00] =	vst v63  }
0x27e: {  	s30 =	simm.s32 $0xC  }
0x27f: {  	_ =	swait.ge [sflag:s30], $0x2000  }
0x280: {  	[sflag:s30] =	ssyncset.done $0x0  }
0x281: {  	s17 =	simm.s32 $0x16D00;
	s4 =	rddreg [dreg:$0xe];
	[sflag:s30] =	ssyncadd.s32 $0xFFFFE000  }
0x282: {  	[hbm4b:s4+s28] =	stream.linear.scatter [tilespmem:s17], [sflag:$0x19], $0x2000, $0x38;
	[tilespmem:$0x1AD00] =	vst v63  }
0x283: {  	_ =	swait.ge [sflag:s5], $0x2000  }
0x284: {  	[sflag:s5] =	ssyncset.done $0x0  }
0x285: {  	s13 =	simm.s32 $0x18D00;
	s30 =	rddreg [dreg:$0xf];
	[sflag:s5] =	ssyncadd.s32 $0xFFFFE000  }
0x286: {  	[hbm4b:s30+s28] =	stream.linear.scatter [tilespmem:s13], [sflag:$0x1A], $0x2000, $0x38;
	[tilespmem:$0x1AD00] =	vst v63  }
0x287: {  	_ =	swait.ge [sflag:s24], $0x2000  }
0x288: {  	s5 =	sld [smem:$0x7F1]  }
0x289: {  	[sflag:s24] =	ssyncset.done $0x0  }
0x28a: {  	[sflag:s24] =	ssyncadd.s32 $0xFFFFE000  }
0x28b: {  	[tilespmem:s22], [sflag:$0x1] =	stream.indirect.gather [hbm4b:s11+s31], $0x40, s5, s31, $0xb8;
	[tilespmem:$0x1AD00] =	vst v63  }
0x28c: {  	_ =	swait.ge [sflag:s20], $0x2000  }
0x28d: {  	s13 =	sld [smem:$0x7F2]  }
0x28e: {  	[sflag:s20] =	ssyncset.done $0x0  }
0x28f: {  	[sflag:s20] =	ssyncadd.s32 $0xFFFFE000  }
0x290: {  	[tilespmem:s18], [sflag:$0x2] =	stream.indirect.gather [hbm4b:s11+s31], $0x40, s13, s31, $0xb8;
	[tilespmem:$0x1AD00] =	vst v63  }
0x291: {  	_ =	swait.ge [sflag:s10], $0x2000  }
0x292: {  	s17 =	sld [smem:$0x7F3]  }
0x293: {  	[sflag:s10] =	ssyncset.done $0x0  }
0x294: {  	[sflag:s10] =	ssyncadd.s32 $0xFFFFE000  }
0x295: {  	[tilespmem:s14], [sflag:$0x3] =	stream.indirect.gather [hbm4b:s11+s31], $0x40, s17, s31, $0xb8;
	[tilespmem:$0x1AD00] =	vst v63  }
0x296: {  	_ =	swait.ge [sflag:s12], $0x2000  }
0x297: {  	s30 =	sld [smem:$0x7F4]  }
0x298: {  	[sflag:s12] =	ssyncset.done $0x0  }
0x299: {  	[sflag:s12] =	ssyncadd.s32 $0xFFFFE000  }
0x29a: {  	[tilespmem:s3], [sflag:$0x4] =	stream.indirect.gather [hbm4b:s11+s31], $0x40, s30, s31, $0xb8;
	[tilespmem:$0x1AD00] =	vst v63  }
0x29b: {  	_ =	swait.ge [sflag:s7], $0x2000  }
0x29c: {  	s5 =	sld [smem:$0x7F5]  }
0x29d: {  	[sflag:s7] =	ssyncset.done $0x0  }
0x29e: {  	[sflag:s7] =	ssyncadd.s32 $0xFFFFE000  }
0x29f: {  	[tilespmem:s9], [sflag:$0x5] =	stream.indirect.gather [hbm4b:s11+s31], $0x40, s5, s31, $0xb8;
	[tilespmem:$0x1AD00] =	vst v63  }
0x2a0: {  	s5 =	simm.s32 $0x13  }
0x2a1: {  	_ =	swait.ge [sflag:s5], $0x2000  }
0x2a2: {  	s9 =	sld [smem:$0x7F6]  }
0x2a3: {  	[sflag:s5] =	ssyncset.done $0x0  }
0x2a4: {  	s17 =	simm.s32 $0x14;
	[sflag:s5] =	ssyncadd.s32 $0xFFFFE000  }
0x2a5: {  	[tilespmem:s25], [sflag:$0x6] =	stream.indirect.gather [hbm4b:s11+s31], $0x40, s9, s31, $0xb8;
	[tilespmem:$0x1AD00] =	vst v63  }
0x2a6: {  	_ =	swait.ge [sflag:s17], $0x2000  }
0x2a7: {  	s13 =	sld [smem:$0x7F7]  }
0x2a8: {  	[sflag:s17] =	ssyncset.done $0x0  }
0x2a9: {  	s30 =	simm.s32 $0xCD00;
	[sflag:s17] =	ssyncadd.s32 $0xFFFFE000  }
0x2aa: {  	[tilespmem:s30], [sflag:$0x7] =	stream.indirect.gather [hbm4b:s11+s31], $0x40, s13, s31, $0xb8;
	[tilespmem:$0x1AD00] =	vst v63  }
0x2ab: {  	s30 =	simm.s32 $0x15  }
0x2ac: {  	_ =	swait.ge [sflag:s30], $0x2000  }
0x2ad: {  	s13 =	sld [smem:$0x7F8]  }
0x2ae: {  	[sflag:s30] =	ssyncset.done $0x0  }
0x2af: {  	[sflag:s30] =	ssyncadd.s32 $0xFFFFE000  }
0x2b0: {  	[tilespmem:s2], [sflag:$0x8] =	stream.indirect.gather [hbm4b:s11+s31], $0x40, s13, s31, $0xb8;
	[tilespmem:$0x1AD00] =	vst v63  }
0x2b1: {  	_ =	swait.ge [sflag:s23], $0x2000  }
0x2b2: {  	s9 =	sld [smem:$0x7F9]  }
0x2b3: {  	[sflag:s23] =	ssyncset.done $0x0  }
0x2b4: {  	[sflag:s23] =	ssyncadd.s32 $0xFFFFE000  }
0x2b5: {  	[tilespmem:s21], [sflag:$0x9] =	stream.indirect.gather [hbm4b:s11+s31], $0x40, s9, s31, $0xb8;
	[tilespmem:$0x1AD00] =	vst v63  }
0x2b6: {  	_ =	swait.ge [sflag:s19], $0x2000  }
0x2b7: {  	s13 =	sld [smem:$0x7FA]  }
0x2b8: {  	[sflag:s19] =	ssyncset.done $0x0  }
0x2b9: {  	[sflag:s19] =	ssyncadd.s32 $0xFFFFE000  }
0x2ba: {  	[tilespmem:s1], [sflag:$0xA] =	stream.indirect.gather [hbm4b:s11+s31], $0x40, s13, s31, $0xb8;
	[tilespmem:$0x1AD00] =	vst v63  }
0x2bb: {  	_ =	swait.ge [sflag:s15], $0x2000  }
0x2bc: {  	s19 =	sld [smem:$0x7FB]  }
0x2bd: {  	[sflag:s15] =	ssyncset.done $0x0  }
0x2be: {  	s13 =	simm.s32 $0x19;
	[sflag:s15] =	ssyncadd.s32 $0xFFFFE000  }
0x2bf: {  	[tilespmem:s0], [sflag:$0xB] =	stream.indirect.gather [hbm4b:s11+s31], $0x40, s19, s31, $0xb8;
	[tilespmem:$0x1AD00] =	vst v63  }
0x2c0: {  	_ =	swait.ge [sflag:s13], $0x2000  }
0x2c1: {  	s21 =	sld [smem:$0x7FC]  }
0x2c2: {  	[sflag:s13] =	ssyncset.done $0x0  }
0x2c3: {  	s1 =	simm.s32 $0x1A;
	s0 =	simm.s32 $0x16D00;
	[sflag:s13] =	ssyncadd.s32 $0xFFFFE000  }
0x2c4: {  	[tilespmem:s0], [sflag:$0xC] =	stream.indirect.gather [hbm4b:s11+s31], $0x40, s21, s31, $0xb8;
	[tilespmem:$0x1AD00] =	vst v63  }
0x2c5: {  	_ =	swait.ge [sflag:s1], $0x2000  }
0x2c6: {  	s4 =	sld [smem:$0x7FD]  }
0x2c7: {  	[sflag:s1] =	ssyncset.done $0x0  }
0x2c8: {  	[sflag:s1] =	ssyncadd.s32 $0xFFFFE000;
	s1 =	simm.s32 $0x18D00  }
0x2c9: {  	[tilespmem:s1], [sflag:$0xD] =	stream.indirect.gather [hbm4b:s11+s31], $0x40, s4, s31, $0xb8;
	[tilespmem:$0x1AD00] =	vst v63  }
0x2ca: {  	_ =	swait.ge [sflag:s6], $0x2000  }
0x2cb: {  	[sflag:s6] =	ssyncset.done $0x0  }
0x2cc: {  	s11 =	rddreg [dreg:$0x10];
	[sflag:s6] =	ssyncadd.s32 $0xFFFFE000  }
0x2cd: {  	[hbm4b:s11+s28] =	stream.linear.scatter [tilespmem:s22], [sflag:$0xE], $0x2000, $0x38;
	[tilespmem:$0x1AD00] =	vst v63  }
0x2ce: {  	s22 =	simm.s32 $0x2  }
0x2cf: {  	_ =	swait.ge [sflag:s22], $0x2000  }
0x2d0: {  	[sflag:s22] =	ssyncset.done $0x0  }
0x2d1: {  	s11 =	simm.s32 $0x3;
	s31 =	rddreg [dreg:$0x11];
	[sflag:s22] =	ssyncadd.s32 $0xFFFFE000  }
0x2d2: {  	[hbm4b:s31+s28] =	stream.linear.scatter [tilespmem:s18], [sflag:$0xF], $0x2000, $0x38;
	[tilespmem:$0x1AD00] =	vst v63  }
0x2d3: {  	_ =	swait.ge [sflag:s11], $0x2000  }
0x2d4: {  	[sflag:s11] =	ssyncset.done $0x0  }
0x2d5: {  	s22 =	simm.s32 $0x4;
	s18 =	rddreg [dreg:$0x12];
	[sflag:s11] =	ssyncadd.s32 $0xFFFFE000  }
0x2d6: {  	[hbm4b:s18+s28] =	stream.linear.scatter [tilespmem:s14], [sflag:$0x10], $0x2000, $0x38;
	[tilespmem:$0x1AD00] =	vst v63  }
0x2d7: {  	_ =	swait.ge [sflag:s22], $0x2000  }
0x2d8: {  	[sflag:s22] =	ssyncset.done $0x0  }
0x2d9: {  	s4 =	simm.s32 $0x5;
	s31 =	rddreg [dreg:$0x13];
	[sflag:s22] =	ssyncadd.s32 $0xFFFFE000  }
0x2da: {  	[hbm4b:s31+s28] =	stream.linear.scatter [tilespmem:s3], [sflag:$0x11], $0x2000, $0x38;
	[tilespmem:$0x1AD00] =	vst v63  }
0x2db: {  	_ =	swait.ge [sflag:s4], $0x2000  }
0x2dc: {  	s11 =	simm.s32 $0x8D00;
	[sflag:s4] =	ssyncset.done $0x0  }
0x2dd: {  	s14 =	simm.s32 $0x6;
	s6 =	rddreg [dreg:$0x14];
	[sflag:s4] =	ssyncadd.s32 $0xFFFFE000  }
0x2de: {  	[hbm4b:s6+s28] =	stream.linear.scatter [tilespmem:s11], [sflag:$0x12], $0x2000, $0x38;
	[tilespmem:$0x1AD00] =	vst v63  }
0x2df: {  	_ =	swait.ge [sflag:s14], $0x2000  }
0x2e0: {  	[sflag:s14] =	ssyncset.done $0x0  }
0x2e1: {  	s22 =	simm.s32 $0x7;
	s18 =	rddreg [dreg:$0x15];
	[sflag:s14] =	ssyncadd.s32 $0xFFFFE000  }
0x2e2: {  	[hbm4b:s18+s28] =	stream.linear.scatter [tilespmem:s25], [sflag:$0x13], $0x2000, $0x38;
	[tilespmem:$0x1AD00] =	vst v63  }
0x2e3: {  	_ =	swait.ge [sflag:s22], $0x2000  }
0x2e4: {  	[sflag:s22] =	ssyncset.done $0x0  }
0x2e5: {  	s31 =	simm.s32 $0xCD00;
	s25 =	rddreg [dreg:$0x16];
	[sflag:s22] =	ssyncadd.s32 $0xFFFFE000  }
0x2e6: {  	[hbm4b:s25+s28] =	stream.linear.scatter [tilespmem:s31], [sflag:$0x14], $0x2000, $0x38;
	[tilespmem:$0x1AD00] =	vst v63  }
0x2e7: {  	_ =	swait.ge [sflag:s29], $0x2000  }
0x2e8: {  	[sflag:s29] =	ssyncset.done $0x0  }
0x2e9: {  	s19 =	simm.s32 $0xED00;
	s6 =	rddreg [dreg:$0x17];
	[sflag:s29] =	ssyncadd.s32 $0xFFFFE000  }
0x2ea: {  	[hbm4b:s6+s28] =	stream.linear.scatter [tilespmem:s19], [sflag:$0x15], $0x2000, $0x38;
	[tilespmem:$0x1AD00] =	vst v63  }
0x2eb: {  	_ =	swait.ge [sflag:s26], $0x2000  }
0x2ec: {  	[sflag:s26] =	ssyncset.done $0x0  }
0x2ed: {  	s23 =	simm.s32 $0x10D00;
	s11 =	rddreg [dreg:$0x18];
	[sflag:s26] =	ssyncadd.s32 $0xFFFFE000  }
0x2ee: {  	[hbm4b:s11+s28] =	stream.linear.scatter [tilespmem:s23], [sflag:$0x16], $0x2000, $0x38;
	[tilespmem:$0x1AD00] =	vst v63  }
0x2ef: {  	_ =	swait.ge [sflag:s16], $0x2000  }
0x2f0: {  	[sflag:s16] =	ssyncset.done $0x0  }
0x2f1: {  	s18 =	simm.s32 $0x12D00;
	s14 =	rddreg [dreg:$0x19];
	[sflag:s16] =	ssyncadd.s32 $0xFFFFE000  }
0x2f2: {  	[hbm4b:s14+s28] =	stream.linear.scatter [tilespmem:s18], [sflag:$0x17], $0x2000, $0x38;
	[tilespmem:$0x1AD00] =	vst v63  }
0x2f3: {  	_ =	swait.ge [sflag:s8], $0x2000  }
0x2f4: {  	s22 =	simm.s32 $0x14D00;
	[sflag:s8] =	ssyncset.done $0x0  }
0x2f5: {  	s23 =	simm.s32 $0xC;
	s19 =	rddreg [dreg:$0x1a];
	[sflag:s8] =	ssyncadd.s32 $0xFFFFE000  }
0x2f6: {  	[hbm4b:s19+s28] =	stream.linear.scatter [tilespmem:s22], [sflag:$0x18], $0x2000, $0x38;
	[tilespmem:$0x1AD00] =	vst v63  }
0x2f7: {  	_ =	swait.ge [sflag:s23], $0x2000  }
0x2f8: {  	[sflag:s23] =	ssyncset.done $0x0  }
0x2f9: {  	s26 =	simm.s32 $0xD;
	s25 =	rddreg [dreg:$0x1b];
	[sflag:s23] =	ssyncadd.s32 $0xFFFFE000  }
0x2fa: {  	[hbm4b:s25+s28] =	stream.linear.scatter [tilespmem:s0], [sflag:$0x19], $0x2000, $0x38;
	[tilespmem:$0x1AD00] =	vst v63  }
0x2fb: {  	_ =	swait.ge [sflag:s26], $0x2000  }
0x2fc: {  	[sflag:s26] =	ssyncset.done $0x0  }
0x2fd: {  	s29 =	rddreg [dreg:$0x1c];
	[sflag:s26] =	ssyncadd.s32 $0xFFFFE000  }
0x2fe: {  	[hbm4b:s29+s28] =	stream.linear.scatter [tilespmem:s1], [sflag:$0x1A], $0x2000, $0x38;
	[tilespmem:$0x1AD00] =	vst v63  }
0x2ff: {  	_ =	swait.ge [sflag:s24], $0x2000  }
0x300: {  	[sflag:s24] =	ssyncset.done $0x0  }
0x301: {  	[sflag:s24] =	ssyncadd.s32 $0xFFFFE000  }
0x302: {  	_ =	swait.ge [sflag:s20], $0x2000  }
0x303: {  	[sflag:s20] =	ssyncset.done $0x0  }
0x304: {  	[sflag:s20] =	ssyncadd.s32 $0xFFFFE000  }
0x305: {  	_ =	swait.ge [sflag:s10], $0x2000  }
0x306: {  	[sflag:s10] =	ssyncset.done $0x0  }
0x307: {  	[sflag:s10] =	ssyncadd.s32 $0xFFFFE000  }
0x308: {  	_ =	swait.ge [sflag:s12], $0x2000  }
0x309: {  	[sflag:s12] =	ssyncset.done $0x0  }
0x30a: {  	[sflag:s12] =	ssyncadd.s32 $0xFFFFE000  }
0x30b: {  	_ =	swait.ge [sflag:s7], $0x2000  }
0x30c: {  	[sflag:s7] =	ssyncset.done $0x0  }
0x30d: {  	[sflag:s7] =	ssyncadd.s32 $0xFFFFE000  }
0x30e: {  	_ =	swait.ge [sflag:s5], $0x2000  }
0x30f: {  	[sflag:s5] =	ssyncset.done $0x0  }
0x310: {  	[sflag:s5] =	ssyncadd.s32 $0xFFFFE000  }
0x311: {  	_ =	swait.ge [sflag:s17], $0x2000  }
0x312: {  	[sflag:s17] =	ssyncset.done $0x0  }
0x313: {  	[sflag:s17] =	ssyncadd.s32 $0xFFFFE000  }
0x314: {  	_ =	swait.ge [sflag:s30], $0x2000  }
0x315: {  	[sflag:s30] =	ssyncset.done $0x0  }
0x316: {  	s2 =	simm.s32 $0x16;
	[sflag:s30] =	ssyncadd.s32 $0xFFFFE000  }
0x317: {  	_ =	swait.ge [sflag:s2], $0x2000  }
0x318: {  	[sflag:s2] =	ssyncset.done $0x0  }
0x319: {  	s9 =	simm.s32 $0x17;
	[sflag:s2] =	ssyncadd.s32 $0xFFFFE000  }
0x31a: {  	_ =	swait.ge [sflag:s9], $0x2000  }
0x31b: {  	[sflag:s9] =	ssyncset.done $0x0  }
0x31c: {  	s15 =	simm.s32 $0x18;
	[sflag:s9] =	ssyncadd.s32 $0xFFFFE000  }
0x31d: {  	_ =	swait.ge [sflag:s15], $0x2000  }
0x31e: {  	[sflag:s15] =	ssyncset.done $0x0  }
0x31f: {  	[sflag:s15] =	ssyncadd.s32 $0xFFFFE000  }
0x320: {  	_ =	swait.ge [sflag:s13], $0x2000  }
0x321: {  	[sflag:s13] =	ssyncset.done $0x0  }
0x322: {  	s21 =	simm.s32 $0x1A;
	[sflag:s13] =	ssyncadd.s32 $0xFFFFE000  }
0x323: {  	_ =	swait.ge [sflag:s21], $0x2000  }
0x324: {  	[sflag:s21] =	ssyncset.done $0x0  }
0x325: {  	[sflag:s21] =	ssyncadd.s32 $0xFFFFE000  }
0x326: {  	_ =	sfence.sel $0x180000  }
0x327: {  	[bflag:$0x0] =	sbarrier.arrive $0xFFFF  }
0x328: {  	_ =	strace $0x90000047  }
0x329: {  	s31 =	stileid.u32;
	[bflag:$0x2] =	sbarrier.arrive $0xFFFF  }
0x32a: {  	p0 =	sne.s32 s31, $0x0;
	s0 =	rddreg [dreg:$0x2]  }
0x32b: {  	s0 =	sadd.s32 @!p0 $0x100000, s0  }
0x32c: {  	[sflag:s0] =	ssyncadd.tile.s32 @!p0 $0x1;
	_ =	shalt  }
.LBB2_1:
.Ltmp3:
0x32d: {  	(pc) =	sbr.rel .LBB2_6-.Ltmp3, $2  }
0x32e: {  	_ =	sdelay $0x2  }
0x32f: {  	s16 =	sld [smem:$0x7E8];
	s25 =	simm.s32 $0xAD00  }
.LBB2_7:
.Ltmp4:
0x330: {  	s16 =	sld [smem:$0x7E8];
	(pc) =	sbr.rel .LBB2_6-.Ltmp4, $4  }
0x331: {  	s9 =	simm.s32 $0x8D00;
	s7 =	simm.s32 $0x12;
	s3 =	simm.s32 $0x6D00  }
0x332: {  	s12 =	simm.s32 $0x11;
	s14 =	simm.s32 $0x4D00;
	s10 =	simm.s32 $0x10  }
0x333: {  	s18 =	simm.s32 $0x2D00;
	s20 =	simm.s32 $0xF;
	s22 =	simm.s32 $0xD00  }
0x334: {  	s24 =	simm.s32 $0xE;
	s5 =	simm.s32 $0xD;
	s26 =	simm.s32 $0x1B  }
.Lfunc_end2:
_tile_overlayer_lowered:
.L_overlay_start_2:
0x335: {  	(tag) =	ssettag $0x2  }
0x336: {  	s0 =	rddreg [dreg:$0x0];
	s2 =	stileid.u32  }
0x337: {  	s1 =	rddreg [dreg:$0x1];
	p0 =	sne.s32 s2, $0x0  }
0x338: {  	s3 =	rddreg [dreg:$0x2];
	[bflag:$0x3] =	sbarrier.arrive $0xFFFF;
	s2 =	simm.s32 @!p0 $0x1C1B  }
0x339: {  	[timem:s3], [sflag:s2] =	dma.local @!p0 [hbm:s0], s1  }
0x33a: {  	s0 =	simm.s32 @!p0 $0x1B  }
0x33b: {  	_ =	swait.ge @!p0 [sflag:s0], s1  }
0x33c: {  	s1 =	ssub.s32 @!p0 $0x0, s1;
	[sflag:s0] =	ssyncset.done @!p0 $0x0  }
0x33d: {  	[sflag:s0] =	ssyncadd.s32 @!p0 s1  }
0x33e: {  	[bflag:$0x3] =	sbarrier.arrive $0xFFFF  }
0x33f: {  	_ =	shalt  }

</sc_bundles>
